<compile_context>
chip_gen: v7x
topology: tpu7x:2x2x1
jax: 0.10.2.dev20260603
libtpu: 0.0.44.dev20260713+nightly
codegen_flags: <defaults>
</compile_context>

<pallas_src>
import functools

import jax
import jax.numpy as jnp
from jax import lax
from jax.experimental import pallas as pl
from jax.experimental.pallas import tpu as pltpu
from jax.experimental.pallas import tpu_sc as plsc

D = 128
NB = 2
NBUF = 8
W = 4


@jax.jit
def _embed(idx, table):
    B, H = idx.shape

    mesh = plsc.VectorSubcoreMesh(core_axis_name="c", subcore_axis_name="s")
    info = plsc.get_sparse_core_info()
    NC = info.num_cores
    NW = NC * info.num_subcores
    b_per_w = B // NW
    n_chunks = b_per_w // NB

    @functools.partial(
        pl.kernel,
        out_type=jax.ShapeDtypeStruct((B, H, D), jnp.float32),
        mesh=mesh,
        compiler_params=pltpu.CompilerParams(use_tc_tiling_on_sc=True),
        scratch_types=(
            [pltpu.VMEM((b_per_w, H), jnp.int32)]
            + [pltpu.VMEM((NB, H, D), jnp.float32) for _ in range(NBUF)]
            + [pltpu.SemaphoreType.DMA for _ in range(2 * NBUF)]
        ),
    )
    def body(idx_hbm, table_hbm, out_hbm, idx_v, *rest):
        bufs = rest[:NBUF]
        gsem = rest[NBUF:2 * NBUF]
        osem = rest[2 * NBUF:]
        wid = lax.axis_index("s") * NC + lax.axis_index("c")
        base = wid * b_per_w
        pltpu.sync_copy(idx_hbm.at[pl.ds(base, b_per_w)], idx_v)

        def start_gathers(c, r):
            for k in range(NB):
                pltpu.async_copy(
                    table_hbm.at[idx_v.at[c * NB + k]],
                    bufs[r].at[k], gsem[r])

        def wait_gathers(c, r):
            for k in range(NB):
                pltpu.make_async_copy(
                    table_hbm.at[idx_v.at[c * NB + k]],
                    bufs[r].at[k], gsem[r]).wait()

        def start_out(c, r):
            pltpu.async_copy(
                bufs[r], out_hbm.at[pl.ds(base + c * NB, NB)], osem[r])

        def wait_out(c, r):
            pltpu.make_async_copy(
                bufs[r], out_hbm.at[pl.ds(base + c * NB, NB)], osem[r]).wait()

        for r in range(NBUF):
            start_gathers(r, r)

        for c in range(W):
            wait_gathers(c, c % NBUF)
            start_out(c, c % NBUF)

        @pl.loop(W, n_chunks - NBUF + W, step=NBUF)
        def _steady(c0):
            for r0 in range(NBUF):
                c = c0 + r0
                rc = (W + r0) % NBUF
                wait_gathers(c, rc)
                start_out(c, rc)
                co = c - W
                wait_out(co, r0)
                start_gathers(co + NBUF, r0)

        for c in range(n_chunks - NBUF + W, n_chunks):
            r = c % NBUF
            wait_gathers(c, r)
            start_out(c, r)
            co = c - W
            wait_out(co, co % NBUF)

        for co in range(n_chunks - W, n_chunks):
            wait_out(co, co % NBUF)

    return body(idx, table)


def kernel(input, table):
    return _embed(input.astype(jnp.int32), table)

# --- scband reference (transcript-rebuilt; emitter-appended) ---
"""Pipeline reference for scband-embedder-3435973837159 (READ-ONLY COPY).

The authoritative reference and input builder live on the scoring server;
editing this copy changes nothing except your own understanding.
"""

import jax, jax.numpy as jnp
import numpy as np

VOCAB = 100000
EMBED_DIM = 128
BATCH = 4096
HIST = 50

def setup_inputs(seed: int = 0) -> dict:
    key = jax.random.key(seed)
    k1, k2 = jax.random.split(key)
    indices = jax.random.randint(k1, (BATCH, HIST), 0, VOCAB, dtype=jnp.int64 if jax.config.jax_enable_x64 else jnp.int32)
    table = jax.random.normal(k2, (VOCAB, EMBED_DIM), dtype=jnp.float32)
    return {"input": indices, "table": table}

def reference(input, table):
    # Faithful translation of torch.nn.Embedding forward: a gather over rows of the table.
    return jnp.take(table, input, axis=0)

if __name__ == "__main__":
    import jax
    _d = setup_inputs()
    print(jax.jit(kernel)(*tuple(_d.values())))

</pallas_src>

<mosaic_0001>
#map = affine_map<(d0, d1) -> (0, 0)>
#map1 = affine_map<(d0, d1) -> (0, 0, 0)>
module attributes {stable_mosaic.version = 14 : i64} {
  func.func @body(%arg0: i32, %arg1: i32, %arg2: memref<4096x50xi32, #tpu.memory_space<hbm>>, %arg3: memref<100000x128xf32, #tpu.memory_space<hbm>>, %arg4: memref<4096x50x128xf32, #tpu.memory_space<hbm>>, %arg5: memref<128x50xi32, #tpu.memory_space<vmem>>, %arg6: memref<2x50x128xf32, #tpu.memory_space<vmem>>, %arg7: memref<2x50x128xf32, #tpu.memory_space<vmem>>, %arg8: memref<2x50x128xf32, #tpu.memory_space<vmem>>, %arg9: memref<2x50x128xf32, #tpu.memory_space<vmem>>, %arg10: memref<2x50x128xf32, #tpu.memory_space<vmem>>, %arg11: memref<2x50x128xf32, #tpu.memory_space<vmem>>, %arg12: memref<2x50x128xf32, #tpu.memory_space<vmem>>, %arg13: memref<2x50x128xf32, #tpu.memory_space<vmem>>, %arg14: memref<!tpu.dma_semaphore, #tpu.memory_space<semaphore_mem>>, %arg15: memref<!tpu.dma_semaphore, #tpu.memory_space<semaphore_mem>>, %arg16: memref<!tpu.dma_semaphore, #tpu.memory_space<semaphore_mem>>, %arg17: memref<!tpu.dma_semaphore, #tpu.memory_space<semaphore_mem>>, %arg18: memref<!tpu.dma_semaphore, #tpu.memory_space<semaphore_mem>>, %arg19: memref<!tpu.dma_semaphore, #tpu.memory_space<semaphore_mem>>, %arg20: memref<!tpu.dma_semaphore, #tpu.memory_space<semaphore_mem>>, %arg21: memref<!tpu.dma_semaphore, #tpu.memory_space<semaphore_mem>>, %arg22: memref<!tpu.dma_semaphore, #tpu.memory_space<semaphore_mem>>, %arg23: memref<!tpu.dma_semaphore, #tpu.memory_space<semaphore_mem>>, %arg24: memref<!tpu.dma_semaphore, #tpu.memory_space<semaphore_mem>>, %arg25: memref<!tpu.dma_semaphore, #tpu.memory_space<semaphore_mem>>, %arg26: memref<!tpu.dma_semaphore, #tpu.memory_space<semaphore_mem>>, %arg27: memref<!tpu.dma_semaphore, #tpu.memory_space<semaphore_mem>>, %arg28: memref<!tpu.dma_semaphore, #tpu.memory_space<semaphore_mem>>, %arg29: memref<!tpu.dma_semaphore, #tpu.memory_space<semaphore_mem>>) attributes {dimension_semantics = [#tpu.dimension_semantics<core_parallel>, #tpu.dimension_semantics<subcore_parallel>], iteration_bounds = array<i64: 2, 16>, scalar_prefetch = 0 : i64, scratch_operands = 25 : i64, tpu.core_type = #tpu.core_type<sc_vector_subcore>, window_params = [{transform_indices = #map}, {transform_indices = #map}, {transform_indices = #map1}]} {
    %mul3A = arith.constant 2 : i32
    %mul3A_0 = arith.muli %arg1, %mul3A : i32
    %add3A = arith.addi %mul3A_0, %arg0 : i32
    %mul3A_1 = arith.constant 128 : i32
    %mul3A_2 = arith.muli %add3A, %mul3A_1 : i32
    "tpu.region"() ({
      %run_scoped3A = tpu.sem_alloc : memref<!tpu.dma_semaphore, #tpu.memory_space<semaphore_mem>>
      %dma_start3A_517 = arith.constant 0 : i32
      %dma_start3A_518 = tpu.memref_slice %arg2[%mul3A_2, %dma_start3A_517] : memref<4096x50xi32, #tpu.memory_space<hbm>> -> memref<128x50xi32, #tpu.memory_space<hbm>>
      %dma_start3A_519 = arith.constant 0 : i32
      %dma_start3A_520 = tpu.memref_slice %arg2[%mul3A_2, %dma_start3A_519] : memref<4096x50xi32, #tpu.memory_space<hbm>> -> memref<128x50xi32, #tpu.memory_space<hbm>>
      tpu.enqueue_dma source(%dma_start3A_520 : memref<128x50xi32, #tpu.memory_space<hbm>>) target(%arg5 : memref<128x50xi32, #tpu.memory_space<vmem>>) target_semaphore(%run_scoped3A : memref<!tpu.dma_semaphore, #tpu.memory_space<semaphore_mem>>)
      %dma_wait3A_521 = arith.constant 0 : i32
      %dma_wait3A_522 = tpu.memref_slice %arg2[%mul3A_2, %dma_wait3A_521] : memref<4096x50xi32, #tpu.memory_space<hbm>> -> memref<128x50xi32, #tpu.memory_space<hbm>>
      %dma_wait3A_523 = arith.constant 0 : i32
      %dma_wait3A_524 = tpu.memref_slice %arg2[%mul3A_2, %dma_wait3A_523] : memref<4096x50xi32, #tpu.memory_space<hbm>> -> memref<128x50xi32, #tpu.memory_space<hbm>>
      tpu.wait_dma2 semaphore(%run_scoped3A : memref<!tpu.dma_semaphore, #tpu.memory_space<semaphore_mem>>) src(%dma_wait3A_524 : memref<128x50xi32, #tpu.memory_space<hbm>>) dst(%arg5 : memref<128x50xi32, #tpu.memory_space<vmem>>)
      tpu.yield
    }) : () -> ()
    %dma_start3A = arith.constant 0 : i32
    %dma_start3A_3 = arith.constant 0 : i32
    %dma_start3A_4 = arith.constant 0 : i32
    %dma_start3A_5 = arith.constant 0 : i32
    %dma_start3A_6 = tpu.memref_slice %arg6[%dma_start3A_3, %dma_start3A_4, %dma_start3A_5] : memref<2x50x128xf32, #tpu.memory_space<vmem>> -> memref<1x50x128xf32, #tpu.memory_space<vmem>>
    %dma_start3A_7 = tpu.memref_squeeze %dma_start3A_6 : memref<1x50x128xf32, #tpu.memory_space<vmem>> -> memref<50x128xf32, #tpu.memory_space<vmem>>
    %dma_start3A_8 = arith.constant 0 : i32
    %dma_start3A_9 = tpu.memref_slice %arg5[%dma_start3A, %dma_start3A_8] : memref<128x50xi32, #tpu.memory_space<vmem>> -> memref<1x50xi32, #tpu.memory_space<vmem>>
    %dma_start3A_10 = tpu.memref_squeeze %dma_start3A_9 : memref<1x50xi32, #tpu.memory_space<vmem>> -> memref<50xi32, #tpu.memory_space<vmem>>
    %dma_start3A_11 = arith.constant 0 : i32
    %dma_start3A_12 = arith.constant 0 : i32
    %dma_start3A_13 = tpu.memref_slice %arg3[%dma_start3A_11, %dma_start3A_12] : memref<100000x128xf32, #tpu.memory_space<hbm>> -> memref<100000x128xf32, #tpu.memory_space<hbm>>
    tpu.enqueue_indirect_dma source(%dma_start3A_13 : memref<100000x128xf32, #tpu.memory_space<hbm>>) target(%dma_start3A_7 : memref<50x128xf32, #tpu.memory_space<vmem>>) offsets(%dma_start3A_10 : memref<50xi32, #tpu.memory_space<vmem>>) semaphore(%arg14 : memref<!tpu.dma_semaphore, #tpu.memory_space<semaphore_mem>>)
    %dma_start3A_14 = arith.constant 1 : i32
    %dma_start3A_15 = arith.constant 1 : i32
    %dma_start3A_16 = arith.constant 0 : i32
    %dma_start3A_17 = arith.constant 0 : i32
    %dma_start3A_18 = tpu.memref_slice %arg6[%dma_start3A_15, %dma_start3A_16, %dma_start3A_17] : memref<2x50x128xf32, #tpu.memory_space<vmem>> -> memref<1x50x128xf32, #tpu.memory_space<vmem>>
    %dma_start3A_19 = tpu.memref_squeeze %dma_start3A_18 : memref<1x50x128xf32, #tpu.memory_space<vmem>> -> memref<50x128xf32, #tpu.memory_space<vmem>>
    %dma_start3A_20 = arith.constant 0 : i32
    %dma_start3A_21 = tpu.memref_slice %arg5[%dma_start3A_14, %dma_start3A_20] : memref<128x50xi32, #tpu.memory_space<vmem>> -> memref<1x50xi32, #tpu.memory_space<vmem>>
    %dma_start3A_22 = tpu.memref_squeeze %dma_start3A_21 : memref<1x50xi32, #tpu.memory_space<vmem>> -> memref<50xi32, #tpu.memory_space<vmem>>
    %dma_start3A_23 = arith.constant 0 : i32
    %dma_start3A_24 = arith.constant 0 : i32
    %dma_start3A_25 = tpu.memref_slice %arg3[%dma_start3A_23, %dma_start3A_24] : memref<100000x128xf32, #tpu.memory_space<hbm>> -> memref<100000x128xf32, #tpu.memory_space<hbm>>
    tpu.enqueue_indirect_dma source(%dma_start3A_25 : memref<100000x128xf32, #tpu.memory_space<hbm>>) target(%dma_start3A_19 : memref<50x128xf32, #tpu.memory_space<vmem>>) offsets(%dma_start3A_22 : memref<50xi32, #tpu.memory_space<vmem>>) semaphore(%arg14 : memref<!tpu.dma_semaphore, #tpu.memory_space<semaphore_mem>>)
    %dma_start3A_26 = arith.constant 2 : i32
    %dma_start3A_27 = arith.constant 0 : i32
    %dma_start3A_28 = arith.constant 0 : i32
    %dma_start3A_29 = arith.constant 0 : i32
    %dma_start3A_30 = tpu.memref_slice %arg7[%dma_start3A_27, %dma_start3A_28, %dma_start3A_29] : memref<2x50x128xf32, #tpu.memory_space<vmem>> -> memref<1x50x128xf32, #tpu.memory_space<vmem>>
    %dma_start3A_31 = tpu.memref_squeeze %dma_start3A_30 : memref<1x50x128xf32, #tpu.memory_space<vmem>> -> memref<50x128xf32, #tpu.memory_space<vmem>>
    %dma_start3A_32 = arith.constant 0 : i32
    %dma_start3A_33 = tpu.memref_slice %arg5[%dma_start3A_26, %dma_start3A_32] : memref<128x50xi32, #tpu.memory_space<vmem>> -> memref<1x50xi32, #tpu.memory_space<vmem>>
    %dma_start3A_34 = tpu.memref_squeeze %dma_start3A_33 : memref<1x50xi32, #tpu.memory_space<vmem>> -> memref<50xi32, #tpu.memory_space<vmem>>
    %dma_start3A_35 = arith.constant 0 : i32
    %dma_start3A_36 = arith.constant 0 : i32
    %dma_start3A_37 = tpu.memref_slice %arg3[%dma_start3A_35, %dma_start3A_36] : memref<100000x128xf32, #tpu.memory_space<hbm>> -> memref<100000x128xf32, #tpu.memory_space<hbm>>
    tpu.enqueue_indirect_dma source(%dma_start3A_37 : memref<100000x128xf32, #tpu.memory_space<hbm>>) target(%dma_start3A_31 : memref<50x128xf32, #tpu.memory_space<vmem>>) offsets(%dma_start3A_34 : memref<50xi32, #tpu.memory_space<vmem>>) semaphore(%arg15 : memref<!tpu.dma_semaphore, #tpu.memory_space<semaphore_mem>>)
    %dma_start3A_38 = arith.constant 3 : i32
    %dma_start3A_39 = arith.constant 1 : i32
    %dma_start3A_40 = arith.constant 0 : i32
    %dma_start3A_41 = arith.constant 0 : i32
    %dma_start3A_42 = tpu.memref_slice %arg7[%dma_start3A_39, %dma_start3A_40, %dma_start3A_41] : memref<2x50x128xf32, #tpu.memory_space<vmem>> -> memref<1x50x128xf32, #tpu.memory_space<vmem>>
    %dma_start3A_43 = tpu.memref_squeeze %dma_start3A_42 : memref<1x50x128xf32, #tpu.memory_space<vmem>> -> memref<50x128xf32, #tpu.memory_space<vmem>>
    %dma_start3A_44 = arith.constant 0 : i32
    %dma_start3A_45 = tpu.memref_slice %arg5[%dma_start3A_38, %dma_start3A_44] : memref<128x50xi32, #tpu.memory_space<vmem>> -> memref<1x50xi32, #tpu.memory_space<vmem>>
    %dma_start3A_46 = tpu.memref_squeeze %dma_start3A_45 : memref<1x50xi32, #tpu.memory_space<vmem>> -> memref<50xi32, #tpu.memory_space<vmem>>
    %dma_start3A_47 = arith.constant 0 : i32
    %dma_start3A_48 = arith.constant 0 : i32
    %dma_start3A_49 = tpu.memref_slice %arg3[%dma_start3A_47, %dma_start3A_48] : memref<100000x128xf32, #tpu.memory_space<hbm>> -> memref<100000x128xf32, #tpu.memory_space<hbm>>
    tpu.enqueue_indirect_dma source(%dma_start3A_49 : memref<100000x128xf32, #tpu.memory_space<hbm>>) target(%dma_start3A_43 : memref<50x128xf32, #tpu.memory_space<vmem>>) offsets(%dma_start3A_46 : memref<50xi32, #tpu.memory_space<vmem>>) semaphore(%arg15 : memref<!tpu.dma_semaphore, #tpu.memory_space<semaphore_mem>>)
    %dma_start3A_50 = arith.constant 4 : i32
    %dma_start3A_51 = arith.constant 0 : i32
    %dma_start3A_52 = arith.constant 0 : i32
    %dma_start3A_53 = arith.constant 0 : i32
    %dma_start3A_54 = tpu.memref_slice %arg8[%dma_start3A_51, %dma_start3A_52, %dma_start3A_53] : memref<2x50x128xf32, #tpu.memory_space<vmem>> -> memref<1x50x128xf32, #tpu.memory_space<vmem>>
    %dma_start3A_55 = tpu.memref_squeeze %dma_start3A_54 : memref<1x50x128xf32, #tpu.memory_space<vmem>> -> memref<50x128xf32, #tpu.memory_space<vmem>>
    %dma_start3A_56 = arith.constant 0 : i32
    %dma_start3A_57 = tpu.memref_slice %arg5[%dma_start3A_50, %dma_start3A_56] : memref<128x50xi32, #tpu.memory_space<vmem>> -> memref<1x50xi32, #tpu.memory_space<vmem>>
    %dma_start3A_58 = tpu.memref_squeeze %dma_start3A_57 : memref<1x50xi32, #tpu.memory_space<vmem>> -> memref<50xi32, #tpu.memory_space<vmem>>
    %dma_start3A_59 = arith.constant 0 : i32
    %dma_start3A_60 = arith.constant 0 : i32
    %dma_start3A_61 = tpu.memref_slice %arg3[%dma_start3A_59, %dma_start3A_60] : memref<100000x128xf32, #tpu.memory_space<hbm>> -> memref<100000x128xf32, #tpu.memory_space<hbm>>
    tpu.enqueue_indirect_dma source(%dma_start3A_61 : memref<100000x128xf32, #tpu.memory_space<hbm>>) target(%dma_start3A_55 : memref<50x128xf32, #tpu.memory_space<vmem>>) offsets(%dma_start3A_58 : memref<50xi32, #tpu.memory_space<vmem>>) semaphore(%arg16 : memref<!tpu.dma_semaphore, #tpu.memory_space<semaphore_mem>>)
    %dma_start3A_62 = arith.constant 5 : i32
    %dma_start3A_63 = arith.constant 1 : i32
    %dma_start3A_64 = arith.constant 0 : i32
    %dma_start3A_65 = arith.constant 0 : i32
    %dma_start3A_66 = tpu.memref_slice %arg8[%dma_start3A_63, %dma_start3A_64, %dma_start3A_65] : memref<2x50x128xf32, #tpu.memory_space<vmem>> -> memref<1x50x128xf32, #tpu.memory_space<vmem>>
    %dma_start3A_67 = tpu.memref_squeeze %dma_start3A_66 : memref<1x50x128xf32, #tpu.memory_space<vmem>> -> memref<50x128xf32, #tpu.memory_space<vmem>>
    %dma_start3A_68 = arith.constant 0 : i32
    %dma_start3A_69 = tpu.memref_slice %arg5[%dma_start3A_62, %dma_start3A_68] : memref<128x50xi32, #tpu.memory_space<vmem>> -> memref<1x50xi32, #tpu.memory_space<vmem>>
    %dma_start3A_70 = tpu.memref_squeeze %dma_start3A_69 : memref<1x50xi32, #tpu.memory_space<vmem>> -> memref<50xi32, #tpu.memory_space<vmem>>
    %dma_start3A_71 = arith.constant 0 : i32
    %dma_start3A_72 = arith.constant 0 : i32
    %dma_start3A_73 = tpu.memref_slice %arg3[%dma_start3A_71, %dma_start3A_72] : memref<100000x128xf32, #tpu.memory_space<hbm>> -> memref<100000x128xf32, #tpu.memory_space<hbm>>
    tpu.enqueue_indirect_dma source(%dma_start3A_73 : memref<100000x128xf32, #tpu.memory_space<hbm>>) target(%dma_start3A_67 : memref<50x128xf32, #tpu.memory_space<vmem>>) offsets(%dma_start3A_70 : memref<50xi32, #tpu.memory_space<vmem>>) semaphore(%arg16 : memref<!tpu.dma_semaphore, #tpu.memory_space<semaphore_mem>>)
    %dma_start3A_74 = arith.constant 6 : i32
    %dma_start3A_75 = arith.constant 0 : i32
    %dma_start3A_76 = arith.constant 0 : i32
    %dma_start3A_77 = arith.constant 0 : i32
    %dma_start3A_78 = tpu.memref_slice %arg9[%dma_start3A_75, %dma_start3A_76, %dma_start3A_77] : memref<2x50x128xf32, #tpu.memory_space<vmem>> -> memref<1x50x128xf32, #tpu.memory_space<vmem>>
    %dma_start3A_79 = tpu.memref_squeeze %dma_start3A_78 : memref<1x50x128xf32, #tpu.memory_space<vmem>> -> memref<50x128xf32, #tpu.memory_space<vmem>>
    %dma_start3A_80 = arith.constant 0 : i32
    %dma_start3A_81 = tpu.memref_slice %arg5[%dma_start3A_74, %dma_start3A_80] : memref<128x50xi32, #tpu.memory_space<vmem>> -> memref<1x50xi32, #tpu.memory_space<vmem>>
    %dma_start3A_82 = tpu.memref_squeeze %dma_start3A_81 : memref<1x50xi32, #tpu.memory_space<vmem>> -> memref<50xi32, #tpu.memory_space<vmem>>
    %dma_start3A_83 = arith.constant 0 : i32
    %dma_start3A_84 = arith.constant 0 : i32
    %dma_start3A_85 = tpu.memref_slice %arg3[%dma_start3A_83, %dma_start3A_84] : memref<100000x128xf32, #tpu.memory_space<hbm>> -> memref<100000x128xf32, #tpu.memory_space<hbm>>
    tpu.enqueue_indirect_dma source(%dma_start3A_85 : memref<100000x128xf32, #tpu.memory_space<hbm>>) target(%dma_start3A_79 : memref<50x128xf32, #tpu.memory_space<vmem>>) offsets(%dma_start3A_82 : memref<50xi32, #tpu.memory_space<vmem>>) semaphore(%arg17 : memref<!tpu.dma_semaphore, #tpu.memory_space<semaphore_mem>>)
    %dma_start3A_86 = arith.constant 7 : i32
    %dma_start3A_87 = arith.constant 1 : i32
    %dma_start3A_88 = arith.constant 0 : i32
    %dma_start3A_89 = arith.constant 0 : i32
    %dma_start3A_90 = tpu.memref_slice %arg9[%dma_start3A_87, %dma_start3A_88, %dma_start3A_89] : memref<2x50x128xf32, #tpu.memory_space<vmem>> -> memref<1x50x128xf32, #tpu.memory_space<vmem>>
    %dma_start3A_91 = tpu.memref_squeeze %dma_start3A_90 : memref<1x50x128xf32, #tpu.memory_space<vmem>> -> memref<50x128xf32, #tpu.memory_space<vmem>>
    %dma_start3A_92 = arith.constant 0 : i32
    %dma_start3A_93 = tpu.memref_slice %arg5[%dma_start3A_86, %dma_start3A_92] : memref<128x50xi32, #tpu.memory_space<vmem>> -> memref<1x50xi32, #tpu.memory_space<vmem>>
    %dma_start3A_94 = tpu.memref_squeeze %dma_start3A_93 : memref<1x50xi32, #tpu.memory_space<vmem>> -> memref<50xi32, #tpu.memory_space<vmem>>
    %dma_start3A_95 = arith.constant 0 : i32
    %dma_start3A_96 = arith.constant 0 : i32
    %dma_start3A_97 = tpu.memref_slice %arg3[%dma_start3A_95, %dma_start3A_96] : memref<100000x128xf32, #tpu.memory_space<hbm>> -> memref<100000x128xf32, #tpu.memory_space<hbm>>
    tpu.enqueue_indirect_dma source(%dma_start3A_97 : memref<100000x128xf32, #tpu.memory_space<hbm>>) target(%dma_start3A_91 : memref<50x128xf32, #tpu.memory_space<vmem>>) offsets(%dma_start3A_94 : memref<50xi32, #tpu.memory_space<vmem>>) semaphore(%arg17 : memref<!tpu.dma_semaphore, #tpu.memory_space<semaphore_mem>>)
    %dma_start3A_98 = arith.constant 8 : i32
    %dma_start3A_99 = arith.constant 0 : i32
    %dma_start3A_100 = arith.constant 0 : i32
    %dma_start3A_101 = arith.constant 0 : i32
    %dma_start3A_102 = tpu.memref_slice %arg10[%dma_start3A_99, %dma_start3A_100, %dma_start3A_101] : memref<2x50x128xf32, #tpu.memory_space<vmem>> -> memref<1x50x128xf32, #tpu.memory_space<vmem>>
    %dma_start3A_103 = tpu.memref_squeeze %dma_start3A_102 : memref<1x50x128xf32, #tpu.memory_space<vmem>> -> memref<50x128xf32, #tpu.memory_space<vmem>>
    %dma_start3A_104 = arith.constant 0 : i32
    %dma_start3A_105 = tpu.memref_slice %arg5[%dma_start3A_98, %dma_start3A_104] : memref<128x50xi32, #tpu.memory_space<vmem>> -> memref<1x50xi32, #tpu.memory_space<vmem>>
    %dma_start3A_106 = tpu.memref_squeeze %dma_start3A_105 : memref<1x50xi32, #tpu.memory_space<vmem>> -> memref<50xi32, #tpu.memory_space<vmem>>
    %dma_start3A_107 = arith.constant 0 : i32
    %dma_start3A_108 = arith.constant 0 : i32
    %dma_start3A_109 = tpu.memref_slice %arg3[%dma_start3A_107, %dma_start3A_108] : memref<100000x128xf32, #tpu.memory_space<hbm>> -> memref<100000x128xf32, #tpu.memory_space<hbm>>
    tpu.enqueue_indirect_dma source(%dma_start3A_109 : memref<100000x128xf32, #tpu.memory_space<hbm>>) target(%dma_start3A_103 : memref<50x128xf32, #tpu.memory_space<vmem>>) offsets(%dma_start3A_106 : memref<50xi32, #tpu.memory_space<vmem>>) semaphore(%arg18 : memref<!tpu.dma_semaphore, #tpu.memory_space<semaphore_mem>>)
    %dma_start3A_110 = arith.constant 9 : i32
    %dma_start3A_111 = arith.constant 1 : i32
    %dma_start3A_112 = arith.constant 0 : i32
    %dma_start3A_113 = arith.constant 0 : i32
    %dma_start3A_114 = tpu.memref_slice %arg10[%dma_start3A_111, %dma_start3A_112, %dma_start3A_113] : memref<2x50x128xf32, #tpu.memory_space<vmem>> -> memref<1x50x128xf32, #tpu.memory_space<vmem>>
    %dma_start3A_115 = tpu.memref_squeeze %dma_start3A_114 : memref<1x50x128xf32, #tpu.memory_space<vmem>> -> memref<50x128xf32, #tpu.memory_space<vmem>>
    %dma_start3A_116 = arith.constant 0 : i32
    %dma_start3A_117 = tpu.memref_slice %arg5[%dma_start3A_110, %dma_start3A_116] : memref<128x50xi32, #tpu.memory_space<vmem>> -> memref<1x50xi32, #tpu.memory_space<vmem>>
    %dma_start3A_118 = tpu.memref_squeeze %dma_start3A_117 : memref<1x50xi32, #tpu.memory_space<vmem>> -> memref<50xi32, #tpu.memory_space<vmem>>
    %dma_start3A_119 = arith.constant 0 : i32
    %dma_start3A_120 = arith.constant 0 : i32
    %dma_start3A_121 = tpu.memref_slice %arg3[%dma_start3A_119, %dma_start3A_120] : memref<100000x128xf32, #tpu.memory_space<hbm>> -> memref<100000x128xf32, #tpu.memory_space<hbm>>
    tpu.enqueue_indirect_dma source(%dma_start3A_121 : memref<100000x128xf32, #tpu.memory_space<hbm>>) target(%dma_start3A_115 : memref<50x128xf32, #tpu.memory_space<vmem>>) offsets(%dma_start3A_118 : memref<50xi32, #tpu.memory_space<vmem>>) semaphore(%arg18 : memref<!tpu.dma_semaphore, #tpu.memory_space<semaphore_mem>>)
    %dma_start3A_122 = arith.constant 10 : i32
    %dma_start3A_123 = arith.constant 0 : i32
    %dma_start3A_124 = arith.constant 0 : i32
    %dma_start3A_125 = arith.constant 0 : i32
    %dma_start3A_126 = tpu.memref_slice %arg11[%dma_start3A_123, %dma_start3A_124, %dma_start3A_125] : memref<2x50x128xf32, #tpu.memory_space<vmem>> -> memref<1x50x128xf32, #tpu.memory_space<vmem>>
    %dma_start3A_127 = tpu.memref_squeeze %dma_start3A_126 : memref<1x50x128xf32, #tpu.memory_space<vmem>> -> memref<50x128xf32, #tpu.memory_space<vmem>>
    %dma_start3A_128 = arith.constant 0 : i32
    %dma_start3A_129 = tpu.memref_slice %arg5[%dma_start3A_122, %dma_start3A_128] : memref<128x50xi32, #tpu.memory_space<vmem>> -> memref<1x50xi32, #tpu.memory_space<vmem>>
    %dma_start3A_130 = tpu.memref_squeeze %dma_start3A_129 : memref<1x50xi32, #tpu.memory_space<vmem>> -> memref<50xi32, #tpu.memory_space<vmem>>
    %dma_start3A_131 = arith.constant 0 : i32
    %dma_start3A_132 = arith.constant 0 : i32
    %dma_start3A_133 = tpu.memref_slice %arg3[%dma_start3A_131, %dma_start3A_132] : memref<100000x128xf32, #tpu.memory_space<hbm>> -> memref<100000x128xf32, #tpu.memory_space<hbm>>
    tpu.enqueue_indirect_dma source(%dma_start3A_133 : memref<100000x128xf32, #tpu.memory_space<hbm>>) target(%dma_start3A_127 : memref<50x128xf32, #tpu.memory_space<vmem>>) offsets(%dma_start3A_130 : memref<50xi32, #tpu.memory_space<vmem>>) semaphore(%arg19 : memref<!tpu.dma_semaphore, #tpu.memory_space<semaphore_mem>>)
    %dma_start3A_134 = arith.constant 11 : i32
    %dma_start3A_135 = arith.constant 1 : i32
    %dma_start3A_136 = arith.constant 0 : i32
    %dma_start3A_137 = arith.constant 0 : i32
    %dma_start3A_138 = tpu.memref_slice %arg11[%dma_start3A_135, %dma_start3A_136, %dma_start3A_137] : memref<2x50x128xf32, #tpu.memory_space<vmem>> -> memref<1x50x128xf32, #tpu.memory_space<vmem>>
    %dma_start3A_139 = tpu.memref_squeeze %dma_start3A_138 : memref<1x50x128xf32, #tpu.memory_space<vmem>> -> memref<50x128xf32, #tpu.memory_space<vmem>>
    %dma_start3A_140 = arith.constant 0 : i32
    %dma_start3A_141 = tpu.memref_slice %arg5[%dma_start3A_134, %dma_start3A_140] : memref<128x50xi32, #tpu.memory_space<vmem>> -> memref<1x50xi32, #tpu.memory_space<vmem>>
    %dma_start3A_142 = tpu.memref_squeeze %dma_start3A_141 : memref<1x50xi32, #tpu.memory_space<vmem>> -> memref<50xi32, #tpu.memory_space<vmem>>
    %dma_start3A_143 = arith.constant 0 : i32
    %dma_start3A_144 = arith.constant 0 : i32
    %dma_start3A_145 = tpu.memref_slice %arg3[%dma_start3A_143, %dma_start3A_144] : memref<100000x128xf32, #tpu.memory_space<hbm>> -> memref<100000x128xf32, #tpu.memory_space<hbm>>
    tpu.enqueue_indirect_dma source(%dma_start3A_145 : memref<100000x128xf32, #tpu.memory_space<hbm>>) target(%dma_start3A_139 : memref<50x128xf32, #tpu.memory_space<vmem>>) offsets(%dma_start3A_142 : memref<50xi32, #tpu.memory_space<vmem>>) semaphore(%arg19 : memref<!tpu.dma_semaphore, #tpu.memory_space<semaphore_mem>>)
    %dma_start3A_146 = arith.constant 12 : i32
    %dma_start3A_147 = arith.constant 0 : i32
    %dma_start3A_148 = arith.constant 0 : i32
    %dma_start3A_149 = arith.constant 0 : i32
    %dma_start3A_150 = tpu.memref_slice %arg12[%dma_start3A_147, %dma_start3A_148, %dma_start3A_149] : memref<2x50x128xf32, #tpu.memory_space<vmem>> -> memref<1x50x128xf32, #tpu.memory_space<vmem>>
    %dma_start3A_151 = tpu.memref_squeeze %dma_start3A_150 : memref<1x50x128xf32, #tpu.memory_space<vmem>> -> memref<50x128xf32, #tpu.memory_space<vmem>>
    %dma_start3A_152 = arith.constant 0 : i32
    %dma_start3A_153 = tpu.memref_slice %arg5[%dma_start3A_146, %dma_start3A_152] : memref<128x50xi32, #tpu.memory_space<vmem>> -> memref<1x50xi32, #tpu.memory_space<vmem>>
    %dma_start3A_154 = tpu.memref_squeeze %dma_start3A_153 : memref<1x50xi32, #tpu.memory_space<vmem>> -> memref<50xi32, #tpu.memory_space<vmem>>
    %dma_start3A_155 = arith.constant 0 : i32
    %dma_start3A_156 = arith.constant 0 : i32
    %dma_start3A_157 = tpu.memref_slice %arg3[%dma_start3A_155, %dma_start3A_156] : memref<100000x128xf32, #tpu.memory_space<hbm>> -> memref<100000x128xf32, #tpu.memory_space<hbm>>
    tpu.enqueue_indirect_dma source(%dma_start3A_157 : memref<100000x128xf32, #tpu.memory_space<hbm>>) target(%dma_start3A_151 : memref<50x128xf32, #tpu.memory_space<vmem>>) offsets(%dma_start3A_154 : memref<50xi32, #tpu.memory_space<vmem>>) semaphore(%arg20 : memref<!tpu.dma_semaphore, #tpu.memory_space<semaphore_mem>>)
    %dma_start3A_158 = arith.constant 13 : i32
    %dma_start3A_159 = arith.constant 1 : i32
    %dma_start3A_160 = arith.constant 0 : i32
    %dma_start3A_161 = arith.constant 0 : i32
    %dma_start3A_162 = tpu.memref_slice %arg12[%dma_start3A_159, %dma_start3A_160, %dma_start3A_161] : memref<2x50x128xf32, #tpu.memory_space<vmem>> -> memref<1x50x128xf32, #tpu.memory_space<vmem>>
    %dma_start3A_163 = tpu.memref_squeeze %dma_start3A_162 : memref<1x50x128xf32, #tpu.memory_space<vmem>> -> memref<50x128xf32, #tpu.memory_space<vmem>>
    %dma_start3A_164 = arith.constant 0 : i32
    %dma_start3A_165 = tpu.memref_slice %arg5[%dma_start3A_158, %dma_start3A_164] : memref<128x50xi32, #tpu.memory_space<vmem>> -> memref<1x50xi32, #tpu.memory_space<vmem>>
    %dma_start3A_166 = tpu.memref_squeeze %dma_start3A_165 : memref<1x50xi32, #tpu.memory_space<vmem>> -> memref<50xi32, #tpu.memory_space<vmem>>
    %dma_start3A_167 = arith.constant 0 : i32
    %dma_start3A_168 = arith.constant 0 : i32
    %dma_start3A_169 = tpu.memref_slice %arg3[%dma_start3A_167, %dma_start3A_168] : memref<100000x128xf32, #tpu.memory_space<hbm>> -> memref<100000x128xf32, #tpu.memory_space<hbm>>
    tpu.enqueue_indirect_dma source(%dma_start3A_169 : memref<100000x128xf32, #tpu.memory_space<hbm>>) target(%dma_start3A_163 : memref<50x128xf32, #tpu.memory_space<vmem>>) offsets(%dma_start3A_166 : memref<50xi32, #tpu.memory_space<vmem>>) semaphore(%arg20 : memref<!tpu.dma_semaphore, #tpu.memory_space<semaphore_mem>>)
    %dma_start3A_170 = arith.constant 14 : i32
    %dma_start3A_171 = arith.constant 0 : i32
    %dma_start3A_172 = arith.constant 0 : i32
    %dma_start3A_173 = arith.constant 0 : i32
    %dma_start3A_174 = tpu.memref_slice %arg13[%dma_start3A_171, %dma_start3A_172, %dma_start3A_173] : memref<2x50x128xf32, #tpu.memory_space<vmem>> -> memref<1x50x128xf32, #tpu.memory_space<vmem>>
    %dma_start3A_175 = tpu.memref_squeeze %dma_start3A_174 : memref<1x50x128xf32, #tpu.memory_space<vmem>> -> memref<50x128xf32, #tpu.memory_space<vmem>>
    %dma_start3A_176 = arith.constant 0 : i32
    %dma_start3A_177 = tpu.memref_slice %arg5[%dma_start3A_170, %dma_start3A_176] : memref<128x50xi32, #tpu.memory_space<vmem>> -> memref<1x50xi32, #tpu.memory_space<vmem>>
    %dma_start3A_178 = tpu.memref_squeeze %dma_start3A_177 : memref<1x50xi32, #tpu.memory_space<vmem>> -> memref<50xi32, #tpu.memory_space<vmem>>
    %dma_start3A_179 = arith.constant 0 : i32
    %dma_start3A_180 = arith.constant 0 : i32
    %dma_start3A_181 = tpu.memref_slice %arg3[%dma_start3A_179, %dma_start3A_180] : memref<100000x128xf32, #tpu.memory_space<hbm>> -> memref<100000x128xf32, #tpu.memory_space<hbm>>
    tpu.enqueue_indirect_dma source(%dma_start3A_181 : memref<100000x128xf32, #tpu.memory_space<hbm>>) target(%dma_start3A_175 : memref<50x128xf32, #tpu.memory_space<vmem>>) offsets(%dma_start3A_178 : memref<50xi32, #tpu.memory_space<vmem>>) semaphore(%arg21 : memref<!tpu.dma_semaphore, #tpu.memory_space<semaphore_mem>>)
    %dma_start3A_182 = arith.constant 15 : i32
    %dma_start3A_183 = arith.constant 1 : i32
    %dma_start3A_184 = arith.constant 0 : i32
    %dma_start3A_185 = arith.constant 0 : i32
    %dma_start3A_186 = tpu.memref_slice %arg13[%dma_start3A_183, %dma_start3A_184, %dma_start3A_185] : memref<2x50x128xf32, #tpu.memory_space<vmem>> -> memref<1x50x128xf32, #tpu.memory_space<vmem>>
    %dma_start3A_187 = tpu.memref_squeeze %dma_start3A_186 : memref<1x50x128xf32, #tpu.memory_space<vmem>> -> memref<50x128xf32, #tpu.memory_space<vmem>>
    %dma_start3A_188 = arith.constant 0 : i32
    %dma_start3A_189 = tpu.memref_slice %arg5[%dma_start3A_182, %dma_start3A_188] : memref<128x50xi32, #tpu.memory_space<vmem>> -> memref<1x50xi32, #tpu.memory_space<vmem>>
    %dma_start3A_190 = tpu.memref_squeeze %dma_start3A_189 : memref<1x50xi32, #tpu.memory_space<vmem>> -> memref<50xi32, #tpu.memory_space<vmem>>
    %dma_start3A_191 = arith.constant 0 : i32
    %dma_start3A_192 = arith.constant 0 : i32
    %dma_start3A_193 = tpu.memref_slice %arg3[%dma_start3A_191, %dma_start3A_192] : memref<100000x128xf32, #tpu.memory_space<hbm>> -> memref<100000x128xf32, #tpu.memory_space<hbm>>
    tpu.enqueue_indirect_dma source(%dma_start3A_193 : memref<100000x128xf32, #tpu.memory_space<hbm>>) target(%dma_start3A_187 : memref<50x128xf32, #tpu.memory_space<vmem>>) offsets(%dma_start3A_190 : memref<50xi32, #tpu.memory_space<vmem>>) semaphore(%arg21 : memref<!tpu.dma_semaphore, #tpu.memory_space<semaphore_mem>>)
    %dma_wait3A = arith.constant 0 : i32
    %dma_wait3A_194 = arith.constant 0 : i32
    %dma_wait3A_195 = arith.constant 0 : i32
    %dma_wait3A_196 = arith.constant 0 : i32
    %dma_wait3A_197 = tpu.memref_slice %arg6[%dma_wait3A_194, %dma_wait3A_195, %dma_wait3A_196] : memref<2x50x128xf32, #tpu.memory_space<vmem>> -> memref<1x50x128xf32, #tpu.memory_space<vmem>>
    %dma_wait3A_198 = tpu.memref_squeeze %dma_wait3A_197 : memref<1x50x128xf32, #tpu.memory_space<vmem>> -> memref<50x128xf32, #tpu.memory_space<vmem>>
    %dma_wait3A_199 = arith.constant 0 : i32
    %dma_wait3A_200 = tpu.memref_slice %arg5[%dma_wait3A, %dma_wait3A_199] : memref<128x50xi32, #tpu.memory_space<vmem>> -> memref<1x50xi32, #tpu.memory_space<vmem>>
    %dma_wait3A_201 = tpu.memref_squeeze %dma_wait3A_200 : memref<1x50xi32, #tpu.memory_space<vmem>> -> memref<50xi32, #tpu.memory_space<vmem>>
    %dma_wait3A_202 = arith.constant 0 : i32
    %dma_wait3A_203 = arith.constant 0 : i32
    %dma_wait3A_204 = tpu.memref_slice %arg3[%dma_wait3A_202, %dma_wait3A_203] : memref<100000x128xf32, #tpu.memory_space<hbm>> -> memref<100000x128xf32, #tpu.memory_space<hbm>>
    tpu.wait_indirect_dma semaphore(%arg14 : memref<!tpu.dma_semaphore, #tpu.memory_space<semaphore_mem>>) src(%dma_wait3A_204 : memref<100000x128xf32, #tpu.memory_space<hbm>>) dst(%dma_wait3A_198 : memref<50x128xf32, #tpu.memory_space<vmem>>)
    %dma_wait3A_205 = arith.constant 1 : i32
    %dma_wait3A_206 = arith.constant 1 : i32
    %dma_wait3A_207 = arith.constant 0 : i32
    %dma_wait3A_208 = arith.constant 0 : i32
    %dma_wait3A_209 = tpu.memref_slice %arg6[%dma_wait3A_206, %dma_wait3A_207, %dma_wait3A_208] : memref<2x50x128xf32, #tpu.memory_space<vmem>> -> memref<1x50x128xf32, #tpu.memory_space<vmem>>
    %dma_wait3A_210 = tpu.memref_squeeze %dma_wait3A_209 : memref<1x50x128xf32, #tpu.memory_space<vmem>> -> memref<50x128xf32, #tpu.memory_space<vmem>>
    %dma_wait3A_211 = arith.constant 0 : i32
    %dma_wait3A_212 = tpu.memref_slice %arg5[%dma_wait3A_205, %dma_wait3A_211] : memref<128x50xi32, #tpu.memory_space<vmem>> -> memref<1x50xi32, #tpu.memory_space<vmem>>
    %dma_wait3A_213 = tpu.memref_squeeze %dma_wait3A_212 : memref<1x50xi32, #tpu.memory_space<vmem>> -> memref<50xi32, #tpu.memory_space<vmem>>
    %dma_wait3A_214 = arith.constant 0 : i32
    %dma_wait3A_215 = arith.constant 0 : i32
    %dma_wait3A_216 = tpu.memref_slice %arg3[%dma_wait3A_214, %dma_wait3A_215] : memref<100000x128xf32, #tpu.memory_space<hbm>> -> memref<100000x128xf32, #tpu.memory_space<hbm>>
    tpu.wait_indirect_dma semaphore(%arg14 : memref<!tpu.dma_semaphore, #tpu.memory_space<semaphore_mem>>) src(%dma_wait3A_216 : memref<100000x128xf32, #tpu.memory_space<hbm>>) dst(%dma_wait3A_210 : memref<50x128xf32, #tpu.memory_space<vmem>>)
    %add3A_217 = arith.constant 0 : i32
    %add3A_218 = arith.addi %mul3A_2, %add3A_217 : i32
    %dma_start3A_219 = arith.constant 0 : i32
    %dma_start3A_220 = arith.constant 0 : i32
    %dma_start3A_221 = tpu.memref_slice %arg4[%add3A_218, %dma_start3A_219, %dma_start3A_220] : memref<4096x50x128xf32, #tpu.memory_space<hbm>> -> memref<2x50x128xf32, #tpu.memory_space<hbm>>
    %dma_start3A_222 = arith.constant 0 : i32
    %dma_start3A_223 = arith.constant 0 : i32
    %dma_start3A_224 = tpu.memref_slice %arg4[%add3A_218, %dma_start3A_222, %dma_start3A_223] : memref<4096x50x128xf32, #tpu.memory_space<hbm>> -> memref<2x50x128xf32, #tpu.memory_space<hbm>>
    tpu.enqueue_dma source(%arg6 : memref<2x50x128xf32, #tpu.memory_space<vmem>>) target(%dma_start3A_224 : memref<2x50x128xf32, #tpu.memory_space<hbm>>) target_semaphore(%arg22 : memref<!tpu.dma_semaphore, #tpu.memory_space<semaphore_mem>>)
    %dma_wait3A_225 = arith.constant 2 : i32
    %dma_wait3A_226 = arith.constant 0 : i32
    %dma_wait3A_227 = arith.constant 0 : i32
    %dma_wait3A_228 = arith.constant 0 : i32
    %dma_wait3A_229 = tpu.memref_slice %arg7[%dma_wait3A_226, %dma_wait3A_227, %dma_wait3A_228] : memref<2x50x128xf32, #tpu.memory_space<vmem>> -> memref<1x50x128xf32, #tpu.memory_space<vmem>>
    %dma_wait3A_230 = tpu.memref_squeeze %dma_wait3A_229 : memref<1x50x128xf32, #tpu.memory_space<vmem>> -> memref<50x128xf32, #tpu.memory_space<vmem>>
    %dma_wait3A_231 = arith.constant 0 : i32
    %dma_wait3A_232 = tpu.memref_slice %arg5[%dma_wait3A_225, %dma_wait3A_231] : memref<128x50xi32, #tpu.memory_space<vmem>> -> memref<1x50xi32, #tpu.memory_space<vmem>>
    %dma_wait3A_233 = tpu.memref_squeeze %dma_wait3A_232 : memref<1x50xi32, #tpu.memory_space<vmem>> -> memref<50xi32, #tpu.memory_space<vmem>>
    %dma_wait3A_234 = arith.constant 0 : i32
    %dma_wait3A_235 = arith.constant 0 : i32
    %dma_wait3A_236 = tpu.memref_slice %arg3[%dma_wait3A_234, %dma_wait3A_235] : memref<100000x128xf32, #tpu.memory_space<hbm>> -> memref<100000x128xf32, #tpu.memory_space<hbm>>
    tpu.wait_indirect_dma semaphore(%arg15 : memref<!tpu.dma_semaphore, #tpu.memory_space<semaphore_mem>>) src(%dma_wait3A_236 : memref<100000x128xf32, #tpu.memory_space<hbm>>) dst(%dma_wait3A_230 : memref<50x128xf32, #tpu.memory_space<vmem>>)
    %dma_wait3A_237 = arith.constant 3 : i32
    %dma_wait3A_238 = arith.constant 1 : i32
    %dma_wait3A_239 = arith.constant 0 : i32
    %dma_wait3A_240 = arith.constant 0 : i32
    %dma_wait3A_241 = tpu.memref_slice %arg7[%dma_wait3A_238, %dma_wait3A_239, %dma_wait3A_240] : memref<2x50x128xf32, #tpu.memory_space<vmem>> -> memref<1x50x128xf32, #tpu.memory_space<vmem>>
    %dma_wait3A_242 = tpu.memref_squeeze %dma_wait3A_241 : memref<1x50x128xf32, #tpu.memory_space<vmem>> -> memref<50x128xf32, #tpu.memory_space<vmem>>
    %dma_wait3A_243 = arith.constant 0 : i32
    %dma_wait3A_244 = tpu.memref_slice %arg5[%dma_wait3A_237, %dma_wait3A_243] : memref<128x50xi32, #tpu.memory_space<vmem>> -> memref<1x50xi32, #tpu.memory_space<vmem>>
    %dma_wait3A_245 = tpu.memref_squeeze %dma_wait3A_244 : memref<1x50xi32, #tpu.memory_space<vmem>> -> memref<50xi32, #tpu.memory_space<vmem>>
    %dma_wait3A_246 = arith.constant 0 : i32
    %dma_wait3A_247 = arith.constant 0 : i32
    %dma_wait3A_248 = tpu.memref_slice %arg3[%dma_wait3A_246, %dma_wait3A_247] : memref<100000x128xf32, #tpu.memory_space<hbm>> -> memref<100000x128xf32, #tpu.memory_space<hbm>>
    tpu.wait_indirect_dma semaphore(%arg15 : memref<!tpu.dma_semaphore, #tpu.memory_space<semaphore_mem>>) src(%dma_wait3A_248 : memref<100000x128xf32, #tpu.memory_space<hbm>>) dst(%dma_wait3A_242 : memref<50x128xf32, #tpu.memory_space<vmem>>)
    %add3A_249 = arith.constant 2 : i32
    %add3A_250 = arith.addi %mul3A_2, %add3A_249 : i32
    %dma_start3A_251 = arith.constant 0 : i32
    %dma_start3A_252 = arith.constant 0 : i32
    %dma_start3A_253 = tpu.memref_slice %arg4[%add3A_250, %dma_start3A_251, %dma_start3A_252] : memref<4096x50x128xf32, #tpu.memory_space<hbm>> -> memref<2x50x128xf32, #tpu.memory_space<hbm>>
    %dma_start3A_254 = arith.constant 0 : i32
    %dma_start3A_255 = arith.constant 0 : i32
    %dma_start3A_256 = tpu.memref_slice %arg4[%add3A_250, %dma_start3A_254, %dma_start3A_255] : memref<4096x50x128xf32, #tpu.memory_space<hbm>> -> memref<2x50x128xf32, #tpu.memory_space<hbm>>
    tpu.enqueue_dma source(%arg7 : memref<2x50x128xf32, #tpu.memory_space<vmem>>) target(%dma_start3A_256 : memref<2x50x128xf32, #tpu.memory_space<hbm>>) target_semaphore(%arg23 : memref<!tpu.dma_semaphore, #tpu.memory_space<semaphore_mem>>)
    %dma_wait3A_257 = arith.constant 4 : i32
    %dma_wait3A_258 = arith.constant 0 : i32
    %dma_wait3A_259 = arith.constant 0 : i32
    %dma_wait3A_260 = arith.constant 0 : i32
    %dma_wait3A_261 = tpu.memref_slice %arg8[%dma_wait3A_258, %dma_wait3A_259, %dma_wait3A_260] : memref<2x50x128xf32, #tpu.memory_space<vmem>> -> memref<1x50x128xf32, #tpu.memory_space<vmem>>
    %dma_wait3A_262 = tpu.memref_squeeze %dma_wait3A_261 : memref<1x50x128xf32, #tpu.memory_space<vmem>> -> memref<50x128xf32, #tpu.memory_space<vmem>>
    %dma_wait3A_263 = arith.constant 0 : i32
    %dma_wait3A_264 = tpu.memref_slice %arg5[%dma_wait3A_257, %dma_wait3A_263] : memref<128x50xi32, #tpu.memory_space<vmem>> -> memref<1x50xi32, #tpu.memory_space<vmem>>
    %dma_wait3A_265 = tpu.memref_squeeze %dma_wait3A_264 : memref<1x50xi32, #tpu.memory_space<vmem>> -> memref<50xi32, #tpu.memory_space<vmem>>
    %dma_wait3A_266 = arith.constant 0 : i32
    %dma_wait3A_267 = arith.constant 0 : i32
    %dma_wait3A_268 = tpu.memref_slice %arg3[%dma_wait3A_266, %dma_wait3A_267] : memref<100000x128xf32, #tpu.memory_space<hbm>> -> memref<100000x128xf32, #tpu.memory_space<hbm>>
    tpu.wait_indirect_dma semaphore(%arg16 : memref<!tpu.dma_semaphore, #tpu.memory_space<semaphore_mem>>) src(%dma_wait3A_268 : memref<100000x128xf32, #tpu.memory_space<hbm>>) dst(%dma_wait3A_262 : memref<50x128xf32, #tpu.memory_space<vmem>>)
    %dma_wait3A_269 = arith.constant 5 : i32
    %dma_wait3A_270 = arith.constant 1 : i32
    %dma_wait3A_271 = arith.constant 0 : i32
    %dma_wait3A_272 = arith.constant 0 : i32
    %dma_wait3A_273 = tpu.memref_slice %arg8[%dma_wait3A_270, %dma_wait3A_271, %dma_wait3A_272] : memref<2x50x128xf32, #tpu.memory_space<vmem>> -> memref<1x50x128xf32, #tpu.memory_space<vmem>>
    %dma_wait3A_274 = tpu.memref_squeeze %dma_wait3A_273 : memref<1x50x128xf32, #tpu.memory_space<vmem>> -> memref<50x128xf32, #tpu.memory_space<vmem>>
    %dma_wait3A_275 = arith.constant 0 : i32
    %dma_wait3A_276 = tpu.memref_slice %arg5[%dma_wait3A_269, %dma_wait3A_275] : memref<128x50xi32, #tpu.memory_space<vmem>> -> memref<1x50xi32, #tpu.memory_space<vmem>>
    %dma_wait3A_277 = tpu.memref_squeeze %dma_wait3A_276 : memref<1x50xi32, #tpu.memory_space<vmem>> -> memref<50xi32, #tpu.memory_space<vmem>>
    %dma_wait3A_278 = arith.constant 0 : i32
    %dma_wait3A_279 = arith.constant 0 : i32
    %dma_wait3A_280 = tpu.memref_slice %arg3[%dma_wait3A_278, %dma_wait3A_279] : memref<100000x128xf32, #tpu.memory_space<hbm>> -> memref<100000x128xf32, #tpu.memory_space<hbm>>
    tpu.wait_indirect_dma semaphore(%arg16 : memref<!tpu.dma_semaphore, #tpu.memory_space<semaphore_mem>>) src(%dma_wait3A_280 : memref<100000x128xf32, #tpu.memory_space<hbm>>) dst(%dma_wait3A_274 : memref<50x128xf32, #tpu.memory_space<vmem>>)
    %add3A_281 = arith.constant 4 : i32
    %add3A_282 = arith.addi %mul3A_2, %add3A_281 : i32
    %dma_start3A_283 = arith.constant 0 : i32
    %dma_start3A_284 = arith.constant 0 : i32
    %dma_start3A_285 = tpu.memref_slice %arg4[%add3A_282, %dma_start3A_283, %dma_start3A_284] : memref<4096x50x128xf32, #tpu.memory_space<hbm>> -> memref<2x50x128xf32, #tpu.memory_space<hbm>>
    %dma_start3A_286 = arith.constant 0 : i32
    %dma_start3A_287 = arith.constant 0 : i32
    %dma_start3A_288 = tpu.memref_slice %arg4[%add3A_282, %dma_start3A_286, %dma_start3A_287] : memref<4096x50x128xf32, #tpu.memory_space<hbm>> -> memref<2x50x128xf32, #tpu.memory_space<hbm>>
    tpu.enqueue_dma source(%arg8 : memref<2x50x128xf32, #tpu.memory_space<vmem>>) target(%dma_start3A_288 : memref<2x50x128xf32, #tpu.memory_space<hbm>>) target_semaphore(%arg24 : memref<!tpu.dma_semaphore, #tpu.memory_space<semaphore_mem>>)
    %dma_wait3A_289 = arith.constant 6 : i32
    %dma_wait3A_290 = arith.constant 0 : i32
    %dma_wait3A_291 = arith.constant 0 : i32
    %dma_wait3A_292 = arith.constant 0 : i32
    %dma_wait3A_293 = tpu.memref_slice %arg9[%dma_wait3A_290, %dma_wait3A_291, %dma_wait3A_292] : memref<2x50x128xf32, #tpu.memory_space<vmem>> -> memref<1x50x128xf32, #tpu.memory_space<vmem>>
    %dma_wait3A_294 = tpu.memref_squeeze %dma_wait3A_293 : memref<1x50x128xf32, #tpu.memory_space<vmem>> -> memref<50x128xf32, #tpu.memory_space<vmem>>
    %dma_wait3A_295 = arith.constant 0 : i32
    %dma_wait3A_296 = tpu.memref_slice %arg5[%dma_wait3A_289, %dma_wait3A_295] : memref<128x50xi32, #tpu.memory_space<vmem>> -> memref<1x50xi32, #tpu.memory_space<vmem>>
    %dma_wait3A_297 = tpu.memref_squeeze %dma_wait3A_296 : memref<1x50xi32, #tpu.memory_space<vmem>> -> memref<50xi32, #tpu.memory_space<vmem>>
    %dma_wait3A_298 = arith.constant 0 : i32
    %dma_wait3A_299 = arith.constant 0 : i32
    %dma_wait3A_300 = tpu.memref_slice %arg3[%dma_wait3A_298, %dma_wait3A_299] : memref<100000x128xf32, #tpu.memory_space<hbm>> -> memref<100000x128xf32, #tpu.memory_space<hbm>>
    tpu.wait_indirect_dma semaphore(%arg17 : memref<!tpu.dma_semaphore, #tpu.memory_space<semaphore_mem>>) src(%dma_wait3A_300 : memref<100000x128xf32, #tpu.memory_space<hbm>>) dst(%dma_wait3A_294 : memref<50x128xf32, #tpu.memory_space<vmem>>)
    %dma_wait3A_301 = arith.constant 7 : i32
    %dma_wait3A_302 = arith.constant 1 : i32
    %dma_wait3A_303 = arith.constant 0 : i32
    %dma_wait3A_304 = arith.constant 0 : i32
    %dma_wait3A_305 = tpu.memref_slice %arg9[%dma_wait3A_302, %dma_wait3A_303, %dma_wait3A_304] : memref<2x50x128xf32, #tpu.memory_space<vmem>> -> memref<1x50x128xf32, #tpu.memory_space<vmem>>
    %dma_wait3A_306 = tpu.memref_squeeze %dma_wait3A_305 : memref<1x50x128xf32, #tpu.memory_space<vmem>> -> memref<50x128xf32, #tpu.memory_space<vmem>>
    %dma_wait3A_307 = arith.constant 0 : i32
    %dma_wait3A_308 = tpu.memref_slice %arg5[%dma_wait3A_301, %dma_wait3A_307] : memref<128x50xi32, #tpu.memory_space<vmem>> -> memref<1x50xi32, #tpu.memory_space<vmem>>
    %dma_wait3A_309 = tpu.memref_squeeze %dma_wait3A_308 : memref<1x50xi32, #tpu.memory_space<vmem>> -> memref<50xi32, #tpu.memory_space<vmem>>
    %dma_wait3A_310 = arith.constant 0 : i32
    %dma_wait3A_311 = arith.constant 0 : i32
    %dma_wait3A_312 = tpu.memref_slice %arg3[%dma_wait3A_310, %dma_wait3A_311] : memref<100000x128xf32, #tpu.memory_space<hbm>> -> memref<100000x128xf32, #tpu.memory_space<hbm>>
    tpu.wait_indirect_dma semaphore(%arg17 : memref<!tpu.dma_semaphore, #tpu.memory_space<semaphore_mem>>) src(%dma_wait3A_312 : memref<100000x128xf32, #tpu.memory_space<hbm>>) dst(%dma_wait3A_306 : memref<50x128xf32, #tpu.memory_space<vmem>>)
    %add3A_313 = arith.constant 6 : i32
    %add3A_314 = arith.addi %mul3A_2, %add3A_313 : i32
    %dma_start3A_315 = arith.constant 0 : i32
    %dma_start3A_316 = arith.constant 0 : i32
    %dma_start3A_317 = tpu.memref_slice %arg4[%add3A_314, %dma_start3A_315, %dma_start3A_316] : memref<4096x50x128xf32, #tpu.memory_space<hbm>> -> memref<2x50x128xf32, #tpu.memory_space<hbm>>
    %dma_start3A_318 = arith.constant 0 : i32
    %dma_start3A_319 = arith.constant 0 : i32
    %dma_start3A_320 = tpu.memref_slice %arg4[%add3A_314, %dma_start3A_318, %dma_start3A_319] : memref<4096x50x128xf32, #tpu.memory_space<hbm>> -> memref<2x50x128xf32, #tpu.memory_space<hbm>>
    tpu.enqueue_dma source(%arg9 : memref<2x50x128xf32, #tpu.memory_space<vmem>>) target(%dma_start3A_320 : memref<2x50x128xf32, #tpu.memory_space<hbm>>) target_semaphore(%arg25 : memref<!tpu.dma_semaphore, #tpu.memory_space<semaphore_mem>>)
    %scan3A = arith.constant 0 : i32
    %scan3A_321 = arith.constant 7 : i32
    %scan3A_322 = arith.addi %scan3A, %scan3A_321 : i32
    %scan3A_323 = arith.constant 1 : i32
    scf.for %scan3A_517 = %scan3A to %scan3A_322 step %scan3A_323  : i32 {
      %mul3A_518 = arith.constant 8 : i32
      %mul3A_519 = arith.muli %scan3A_517, %mul3A_518 : i32
      %add3A_520 = arith.constant 4 : i32
      %add3A_521 = arith.addi %add3A_520, %mul3A_519 : i32
      %add3A_522 = arith.constant 0 : i32
      %add3A_523 = arith.addi %add3A_521, %add3A_522 : i32
      %mul3A_524 = arith.constant 2 : i32
      %mul3A_525 = arith.muli %add3A_523, %mul3A_524 : i32
      %add3A_526 = arith.constant 0 : i32
      %add3A_527 = arith.addi %mul3A_525, %add3A_526 : i32
      %dma_wait3A_528 = arith.constant 0 : i32
      %dma_wait3A_529 = arith.constant 0 : i32
      %dma_wait3A_530 = arith.constant 0 : i32
      %dma_wait3A_531 = tpu.memref_slice %arg10[%dma_wait3A_528, %dma_wait3A_529, %dma_wait3A_530] : memref<2x50x128xf32, #tpu.memory_space<vmem>> -> memref<1x50x128xf32, #tpu.memory_space<vmem>>
      %dma_wait3A_532 = tpu.memref_squeeze %dma_wait3A_531 : memref<1x50x128xf32, #tpu.memory_space<vmem>> -> memref<50x128xf32, #tpu.memory_space<vmem>>
      %dma_wait3A_533 = arith.constant 0 : i32
      %dma_wait3A_534 = tpu.memref_slice %arg5[%add3A_527, %dma_wait3A_533] : memref<128x50xi32, #tpu.memory_space<vmem>> -> memref<1x50xi32, #tpu.memory_space<vmem>>
      %dma_wait3A_535 = tpu.memref_squeeze %dma_wait3A_534 : memref<1x50xi32, #tpu.memory_space<vmem>> -> memref<50xi32, #tpu.memory_space<vmem>>
      %dma_wait3A_536 = arith.constant 0 : i32
      %dma_wait3A_537 = arith.constant 0 : i32
      %dma_wait3A_538 = tpu.memref_slice %arg3[%dma_wait3A_536, %dma_wait3A_537] : memref<100000x128xf32, #tpu.memory_space<hbm>> -> memref<100000x128xf32, #tpu.memory_space<hbm>>
      tpu.wait_indirect_dma semaphore(%arg18 : memref<!tpu.dma_semaphore, #tpu.memory_space<semaphore_mem>>) src(%dma_wait3A_538 : memref<100000x128xf32, #tpu.memory_space<hbm>>) dst(%dma_wait3A_532 : memref<50x128xf32, #tpu.memory_space<vmem>>)
      %mul3A_539 = arith.constant 2 : i32
      %mul3A_540 = arith.muli %add3A_523, %mul3A_539 : i32
      %add3A_541 = arith.constant 1 : i32
      %add3A_542 = arith.addi %mul3A_540, %add3A_541 : i32
      %dma_wait3A_543 = arith.constant 1 : i32
      %dma_wait3A_544 = arith.constant 0 : i32
      %dma_wait3A_545 = arith.constant 0 : i32
      %dma_wait3A_546 = tpu.memref_slice %arg10[%dma_wait3A_543, %dma_wait3A_544, %dma_wait3A_545] : memref<2x50x128xf32, #tpu.memory_space<vmem>> -> memref<1x50x128xf32, #tpu.memory_space<vmem>>
      %dma_wait3A_547 = tpu.memref_squeeze %dma_wait3A_546 : memref<1x50x128xf32, #tpu.memory_space<vmem>> -> memref<50x128xf32, #tpu.memory_space<vmem>>
      %dma_wait3A_548 = arith.constant 0 : i32
      %dma_wait3A_549 = tpu.memref_slice %arg5[%add3A_542, %dma_wait3A_548] : memref<128x50xi32, #tpu.memory_space<vmem>> -> memref<1x50xi32, #tpu.memory_space<vmem>>
      %dma_wait3A_550 = tpu.memref_squeeze %dma_wait3A_549 : memref<1x50xi32, #tpu.memory_space<vmem>> -> memref<50xi32, #tpu.memory_space<vmem>>
      %dma_wait3A_551 = arith.constant 0 : i32
      %dma_wait3A_552 = arith.constant 0 : i32
      %dma_wait3A_553 = tpu.memref_slice %arg3[%dma_wait3A_551, %dma_wait3A_552] : memref<100000x128xf32, #tpu.memory_space<hbm>> -> memref<100000x128xf32, #tpu.memory_space<hbm>>
      tpu.wait_indirect_dma semaphore(%arg18 : memref<!tpu.dma_semaphore, #tpu.memory_space<semaphore_mem>>) src(%dma_wait3A_553 : memref<100000x128xf32, #tpu.memory_space<hbm>>) dst(%dma_wait3A_547 : memref<50x128xf32, #tpu.memory_space<vmem>>)
      %mul3A_554 = arith.constant 2 : i32
      %mul3A_555 = arith.muli %add3A_523, %mul3A_554 : i32
      %add3A_556 = arith.addi %mul3A_2, %mul3A_555 : i32
      %dma_start3A_557 = arith.constant 0 : i32
      %dma_start3A_558 = arith.constant 0 : i32
      %dma_start3A_559 = tpu.memref_slice %arg4[%add3A_556, %dma_start3A_557, %dma_start3A_558] : memref<4096x50x128xf32, #tpu.memory_space<hbm>> -> memref<2x50x128xf32, #tpu.memory_space<hbm>>
      %dma_start3A_560 = arith.constant 0 : i32
      %dma_start3A_561 = arith.constant 0 : i32
      %dma_start3A_562 = tpu.memref_slice %arg4[%add3A_556, %dma_start3A_560, %dma_start3A_561] : memref<4096x50x128xf32, #tpu.memory_space<hbm>> -> memref<2x50x128xf32, #tpu.memory_space<hbm>>
      tpu.enqueue_dma source(%arg10 : memref<2x50x128xf32, #tpu.memory_space<vmem>>) target(%dma_start3A_562 : memref<2x50x128xf32, #tpu.memory_space<hbm>>) target_semaphore(%arg26 : memref<!tpu.dma_semaphore, #tpu.memory_space<semaphore_mem>>)
      %sub3A = arith.constant 4 : i32
      %sub3A_563 = arith.subi %add3A_523, %sub3A : i32
      %mul3A_564 = arith.constant 2 : i32
      %mul3A_565 = arith.muli %sub3A_563, %mul3A_564 : i32
      %add3A_566 = arith.addi %mul3A_2, %mul3A_565 : i32
      %dma_wait3A_567 = arith.constant 0 : i32
      %dma_wait3A_568 = arith.constant 0 : i32
      %dma_wait3A_569 = tpu.memref_slice %arg4[%add3A_566, %dma_wait3A_567, %dma_wait3A_568] : memref<4096x50x128xf32, #tpu.memory_space<hbm>> -> memref<2x50x128xf32, #tpu.memory_space<hbm>>
      %dma_wait3A_570 = arith.constant 0 : i32
      %dma_wait3A_571 = arith.constant 0 : i32
      %dma_wait3A_572 = tpu.memref_slice %arg4[%add3A_566, %dma_wait3A_570, %dma_wait3A_571] : memref<4096x50x128xf32, #tpu.memory_space<hbm>> -> memref<2x50x128xf32, #tpu.memory_space<hbm>>
      tpu.wait_dma2 semaphore(%arg22 : memref<!tpu.dma_semaphore, #tpu.memory_space<semaphore_mem>>) src(%arg6 : memref<2x50x128xf32, #tpu.memory_space<vmem>>) dst(%dma_wait3A_572 : memref<2x50x128xf32, #tpu.memory_space<hbm>>)
      %add3A_573 = arith.constant 8 : i32
      %add3A_574 = arith.addi %sub3A_563, %add3A_573 : i32
      %mul3A_575 = arith.constant 2 : i32
      %mul3A_576 = arith.muli %add3A_574, %mul3A_575 : i32
      %add3A_577 = arith.constant 0 : i32
      %add3A_578 = arith.addi %mul3A_576, %add3A_577 : i32
      %dma_start3A_579 = arith.constant 0 : i32
      %dma_start3A_580 = arith.constant 0 : i32
      %dma_start3A_581 = arith.constant 0 : i32
      %dma_start3A_582 = tpu.memref_slice %arg6[%dma_start3A_579, %dma_start3A_580, %dma_start3A_581] : memref<2x50x128xf32, #tpu.memory_space<vmem>> -> memref<1x50x128xf32, #tpu.memory_space<vmem>>
      %dma_start3A_583 = tpu.memref_squeeze %dma_start3A_582 : memref<1x50x128xf32, #tpu.memory_space<vmem>> -> memref<50x128xf32, #tpu.memory_space<vmem>>
      %dma_start3A_584 = arith.constant 0 : i32
      %dma_start3A_585 = tpu.memref_slice %arg5[%add3A_578, %dma_start3A_584] : memref<128x50xi32, #tpu.memory_space<vmem>> -> memref<1x50xi32, #tpu.memory_space<vmem>>
      %dma_start3A_586 = tpu.memref_squeeze %dma_start3A_585 : memref<1x50xi32, #tpu.memory_space<vmem>> -> memref<50xi32, #tpu.memory_space<vmem>>
      %dma_start3A_587 = arith.constant 0 : i32
      %dma_start3A_588 = arith.constant 0 : i32
      %dma_start3A_589 = tpu.memref_slice %arg3[%dma_start3A_587, %dma_start3A_588] : memref<100000x128xf32, #tpu.memory_space<hbm>> -> memref<100000x128xf32, #tpu.memory_space<hbm>>
      tpu.enqueue_indirect_dma source(%dma_start3A_589 : memref<100000x128xf32, #tpu.memory_space<hbm>>) target(%dma_start3A_583 : memref<50x128xf32, #tpu.memory_space<vmem>>) offsets(%dma_start3A_586 : memref<50xi32, #tpu.memory_space<vmem>>) semaphore(%arg14 : memref<!tpu.dma_semaphore, #tpu.memory_space<semaphore_mem>>)
      %mul3A_590 = arith.constant 2 : i32
      %mul3A_591 = arith.muli %add3A_574, %mul3A_590 : i32
      %add3A_592 = arith.constant 1 : i32
      %add3A_593 = arith.addi %mul3A_591, %add3A_592 : i32
      %dma_start3A_594 = arith.constant 1 : i32
      %dma_start3A_595 = arith.constant 0 : i32
      %dma_start3A_596 = arith.constant 0 : i32
      %dma_start3A_597 = tpu.memref_slice %arg6[%dma_start3A_594, %dma_start3A_595, %dma_start3A_596] : memref<2x50x128xf32, #tpu.memory_space<vmem>> -> memref<1x50x128xf32, #tpu.memory_space<vmem>>
      %dma_start3A_598 = tpu.memref_squeeze %dma_start3A_597 : memref<1x50x128xf32, #tpu.memory_space<vmem>> -> memref<50x128xf32, #tpu.memory_space<vmem>>
      %dma_start3A_599 = arith.constant 0 : i32
      %dma_start3A_600 = tpu.memref_slice %arg5[%add3A_593, %dma_start3A_599] : memref<128x50xi32, #tpu.memory_space<vmem>> -> memref<1x50xi32, #tpu.memory_space<vmem>>
      %dma_start3A_601 = tpu.memref_squeeze %dma_start3A_600 : memref<1x50xi32, #tpu.memory_space<vmem>> -> memref<50xi32, #tpu.memory_space<vmem>>
      %dma_start3A_602 = arith.constant 0 : i32
      %dma_start3A_603 = arith.constant 0 : i32
      %dma_start3A_604 = tpu.memref_slice %arg3[%dma_start3A_602, %dma_start3A_603] : memref<100000x128xf32, #tpu.memory_space<hbm>> -> memref<100000x128xf32, #tpu.memory_space<hbm>>
      tpu.enqueue_indirect_dma source(%dma_start3A_604 : memref<100000x128xf32, #tpu.memory_space<hbm>>) target(%dma_start3A_598 : memref<50x128xf32, #tpu.memory_space<vmem>>) offsets(%dma_start3A_601 : memref<50xi32, #tpu.memory_space<vmem>>) semaphore(%arg14 : memref<!tpu.dma_semaphore, #tpu.memory_space<semaphore_mem>>)
      %add3A_605 = arith.constant 1 : i32
      %add3A_606 = arith.addi %add3A_521, %add3A_605 : i32
      %mul3A_607 = arith.constant 2 : i32
      %mul3A_608 = arith.muli %add3A_606, %mul3A_607 : i32
      %add3A_609 = arith.constant 0 : i32
      %add3A_610 = arith.addi %mul3A_608, %add3A_609 : i32
      %dma_wait3A_611 = arith.constant 0 : i32
      %dma_wait3A_612 = arith.constant 0 : i32
      %dma_wait3A_613 = arith.constant 0 : i32
      %dma_wait3A_614 = tpu.memref_slice %arg11[%dma_wait3A_611, %dma_wait3A_612, %dma_wait3A_613] : memref<2x50x128xf32, #tpu.memory_space<vmem>> -> memref<1x50x128xf32, #tpu.memory_space<vmem>>
      %dma_wait3A_615 = tpu.memref_squeeze %dma_wait3A_614 : memref<1x50x128xf32, #tpu.memory_space<vmem>> -> memref<50x128xf32, #tpu.memory_space<vmem>>
      %dma_wait3A_616 = arith.constant 0 : i32
      %dma_wait3A_617 = tpu.memref_slice %arg5[%add3A_610, %dma_wait3A_616] : memref<128x50xi32, #tpu.memory_space<vmem>> -> memref<1x50xi32, #tpu.memory_space<vmem>>
      %dma_wait3A_618 = tpu.memref_squeeze %dma_wait3A_617 : memref<1x50xi32, #tpu.memory_space<vmem>> -> memref<50xi32, #tpu.memory_space<vmem>>
      %dma_wait3A_619 = arith.constant 0 : i32
      %dma_wait3A_620 = arith.constant 0 : i32
      %dma_wait3A_621 = tpu.memref_slice %arg3[%dma_wait3A_619, %dma_wait3A_620] : memref<100000x128xf32, #tpu.memory_space<hbm>> -> memref<100000x128xf32, #tpu.memory_space<hbm>>
      tpu.wait_indirect_dma semaphore(%arg19 : memref<!tpu.dma_semaphore, #tpu.memory_space<semaphore_mem>>) src(%dma_wait3A_621 : memref<100000x128xf32, #tpu.memory_space<hbm>>) dst(%dma_wait3A_615 : memref<50x128xf32, #tpu.memory_space<vmem>>)
      %mul3A_622 = arith.constant 2 : i32
      %mul3A_623 = arith.muli %add3A_606, %mul3A_622 : i32
      %add3A_624 = arith.constant 1 : i32
      %add3A_625 = arith.addi %mul3A_623, %add3A_624 : i32
      %dma_wait3A_626 = arith.constant 1 : i32
      %dma_wait3A_627 = arith.constant 0 : i32
      %dma_wait3A_628 = arith.constant 0 : i32
      %dma_wait3A_629 = tpu.memref_slice %arg11[%dma_wait3A_626, %dma_wait3A_627, %dma_wait3A_628] : memref<2x50x128xf32, #tpu.memory_space<vmem>> -> memref<1x50x128xf32, #tpu.memory_space<vmem>>
      %dma_wait3A_630 = tpu.memref_squeeze %dma_wait3A_629 : memref<1x50x128xf32, #tpu.memory_space<vmem>> -> memref<50x128xf32, #tpu.memory_space<vmem>>
      %dma_wait3A_631 = arith.constant 0 : i32
      %dma_wait3A_632 = tpu.memref_slice %arg5[%add3A_625, %dma_wait3A_631] : memref<128x50xi32, #tpu.memory_space<vmem>> -> memref<1x50xi32, #tpu.memory_space<vmem>>
      %dma_wait3A_633 = tpu.memref_squeeze %dma_wait3A_632 : memref<1x50xi32, #tpu.memory_space<vmem>> -> memref<50xi32, #tpu.memory_space<vmem>>
      %dma_wait3A_634 = arith.constant 0 : i32
      %dma_wait3A_635 = arith.constant 0 : i32
      %dma_wait3A_636 = tpu.memref_slice %arg3[%dma_wait3A_634, %dma_wait3A_635] : memref<100000x128xf32, #tpu.memory_space<hbm>> -> memref<100000x128xf32, #tpu.memory_space<hbm>>
      tpu.wait_indirect_dma semaphore(%arg19 : memref<!tpu.dma_semaphore, #tpu.memory_space<semaphore_mem>>) src(%dma_wait3A_636 : memref<100000x128xf32, #tpu.memory_space<hbm>>) dst(%dma_wait3A_630 : memref<50x128xf32, #tpu.memory_space<vmem>>)
      %mul3A_637 = arith.constant 2 : i32
      %mul3A_638 = arith.muli %add3A_606, %mul3A_637 : i32
      %add3A_639 = arith.addi %mul3A_2, %mul3A_638 : i32
      %dma_start3A_640 = arith.constant 0 : i32
      %dma_start3A_641 = arith.constant 0 : i32
      %dma_start3A_642 = tpu.memref_slice %arg4[%add3A_639, %dma_start3A_640, %dma_start3A_641] : memref<4096x50x128xf32, #tpu.memory_space<hbm>> -> memref<2x50x128xf32, #tpu.memory_space<hbm>>
      %dma_start3A_643 = arith.constant 0 : i32
      %dma_start3A_644 = arith.constant 0 : i32
      %dma_start3A_645 = tpu.memref_slice %arg4[%add3A_639, %dma_start3A_643, %dma_start3A_644] : memref<4096x50x128xf32, #tpu.memory_space<hbm>> -> memref<2x50x128xf32, #tpu.memory_space<hbm>>
      tpu.enqueue_dma source(%arg11 : memref<2x50x128xf32, #tpu.memory_space<vmem>>) target(%dma_start3A_645 : memref<2x50x128xf32, #tpu.memory_space<hbm>>) target_semaphore(%arg27 : memref<!tpu.dma_semaphore, #tpu.memory_space<semaphore_mem>>)
      %sub3A_646 = arith.constant 4 : i32
      %sub3A_647 = arith.subi %add3A_606, %sub3A_646 : i32
      %mul3A_648 = arith.constant 2 : i32
      %mul3A_649 = arith.muli %sub3A_647, %mul3A_648 : i32
      %add3A_650 = arith.addi %mul3A_2, %mul3A_649 : i32
      %dma_wait3A_651 = arith.constant 0 : i32
      %dma_wait3A_652 = arith.constant 0 : i32
      %dma_wait3A_653 = tpu.memref_slice %arg4[%add3A_650, %dma_wait3A_651, %dma_wait3A_652] : memref<4096x50x128xf32, #tpu.memory_space<hbm>> -> memref<2x50x128xf32, #tpu.memory_space<hbm>>
      %dma_wait3A_654 = arith.constant 0 : i32
      %dma_wait3A_655 = arith.constant 0 : i32
      %dma_wait3A_656 = tpu.memref_slice %arg4[%add3A_650, %dma_wait3A_654, %dma_wait3A_655] : memref<4096x50x128xf32, #tpu.memory_space<hbm>> -> memref<2x50x128xf32, #tpu.memory_space<hbm>>
      tpu.wait_dma2 semaphore(%arg23 : memref<!tpu.dma_semaphore, #tpu.memory_space<semaphore_mem>>) src(%arg7 : memref<2x50x128xf32, #tpu.memory_space<vmem>>) dst(%dma_wait3A_656 : memref<2x50x128xf32, #tpu.memory_space<hbm>>)
      %add3A_657 = arith.constant 8 : i32
      %add3A_658 = arith.addi %sub3A_647, %add3A_657 : i32
      %mul3A_659 = arith.constant 2 : i32
      %mul3A_660 = arith.muli %add3A_658, %mul3A_659 : i32
      %add3A_661 = arith.constant 0 : i32
      %add3A_662 = arith.addi %mul3A_660, %add3A_661 : i32
      %dma_start3A_663 = arith.constant 0 : i32
      %dma_start3A_664 = arith.constant 0 : i32
      %dma_start3A_665 = arith.constant 0 : i32
      %dma_start3A_666 = tpu.memref_slice %arg7[%dma_start3A_663, %dma_start3A_664, %dma_start3A_665] : memref<2x50x128xf32, #tpu.memory_space<vmem>> -> memref<1x50x128xf32, #tpu.memory_space<vmem>>
      %dma_start3A_667 = tpu.memref_squeeze %dma_start3A_666 : memref<1x50x128xf32, #tpu.memory_space<vmem>> -> memref<50x128xf32, #tpu.memory_space<vmem>>
      %dma_start3A_668 = arith.constant 0 : i32
      %dma_start3A_669 = tpu.memref_slice %arg5[%add3A_662, %dma_start3A_668] : memref<128x50xi32, #tpu.memory_space<vmem>> -> memref<1x50xi32, #tpu.memory_space<vmem>>
      %dma_start3A_670 = tpu.memref_squeeze %dma_start3A_669 : memref<1x50xi32, #tpu.memory_space<vmem>> -> memref<50xi32, #tpu.memory_space<vmem>>
      %dma_start3A_671 = arith.constant 0 : i32
      %dma_start3A_672 = arith.constant 0 : i32
      %dma_start3A_673 = tpu.memref_slice %arg3[%dma_start3A_671, %dma_start3A_672] : memref<100000x128xf32, #tpu.memory_space<hbm>> -> memref<100000x128xf32, #tpu.memory_space<hbm>>
      tpu.enqueue_indirect_dma source(%dma_start3A_673 : memref<100000x128xf32, #tpu.memory_space<hbm>>) target(%dma_start3A_667 : memref<50x128xf32, #tpu.memory_space<vmem>>) offsets(%dma_start3A_670 : memref<50xi32, #tpu.memory_space<vmem>>) semaphore(%arg15 : memref<!tpu.dma_semaphore, #tpu.memory_space<semaphore_mem>>)
      %mul3A_674 = arith.constant 2 : i32
      %mul3A_675 = arith.muli %add3A_658, %mul3A_674 : i32
      %add3A_676 = arith.constant 1 : i32
      %add3A_677 = arith.addi %mul3A_675, %add3A_676 : i32
      %dma_start3A_678 = arith.constant 1 : i32
      %dma_start3A_679 = arith.constant 0 : i32
      %dma_start3A_680 = arith.constant 0 : i32
      %dma_start3A_681 = tpu.memref_slice %arg7[%dma_start3A_678, %dma_start3A_679, %dma_start3A_680] : memref<2x50x128xf32, #tpu.memory_space<vmem>> -> memref<1x50x128xf32, #tpu.memory_space<vmem>>
      %dma_start3A_682 = tpu.memref_squeeze %dma_start3A_681 : memref<1x50x128xf32, #tpu.memory_space<vmem>> -> memref<50x128xf32, #tpu.memory_space<vmem>>
      %dma_start3A_683 = arith.constant 0 : i32
      %dma_start3A_684 = tpu.memref_slice %arg5[%add3A_677, %dma_start3A_683] : memref<128x50xi32, #tpu.memory_space<vmem>> -> memref<1x50xi32, #tpu.memory_space<vmem>>
      %dma_start3A_685 = tpu.memref_squeeze %dma_start3A_684 : memref<1x50xi32, #tpu.memory_space<vmem>> -> memref<50xi32, #tpu.memory_space<vmem>>
      %dma_start3A_686 = arith.constant 0 : i32
      %dma_start3A_687 = arith.constant 0 : i32
      %dma_start3A_688 = tpu.memref_slice %arg3[%dma_start3A_686, %dma_start3A_687] : memref<100000x128xf32, #tpu.memory_space<hbm>> -> memref<100000x128xf32, #tpu.memory_space<hbm>>
      tpu.enqueue_indirect_dma source(%dma_start3A_688 : memref<100000x128xf32, #tpu.memory_space<hbm>>) target(%dma_start3A_682 : memref<50x128xf32, #tpu.memory_space<vmem>>) offsets(%dma_start3A_685 : memref<50xi32, #tpu.memory_space<vmem>>) semaphore(%arg15 : memref<!tpu.dma_semaphore, #tpu.memory_space<semaphore_mem>>)
      %add3A_689 = arith.constant 2 : i32
      %add3A_690 = arith.addi %add3A_521, %add3A_689 : i32
      %mul3A_691 = arith.constant 2 : i32
      %mul3A_692 = arith.muli %add3A_690, %mul3A_691 : i32
      %add3A_693 = arith.constant 0 : i32
      %add3A_694 = arith.addi %mul3A_692, %add3A_693 : i32
      %dma_wait3A_695 = arith.constant 0 : i32
      %dma_wait3A_696 = arith.constant 0 : i32
      %dma_wait3A_697 = arith.constant 0 : i32
      %dma_wait3A_698 = tpu.memref_slice %arg12[%dma_wait3A_695, %dma_wait3A_696, %dma_wait3A_697] : memref<2x50x128xf32, #tpu.memory_space<vmem>> -> memref<1x50x128xf32, #tpu.memory_space<vmem>>
      %dma_wait3A_699 = tpu.memref_squeeze %dma_wait3A_698 : memref<1x50x128xf32, #tpu.memory_space<vmem>> -> memref<50x128xf32, #tpu.memory_space<vmem>>
      %dma_wait3A_700 = arith.constant 0 : i32
      %dma_wait3A_701 = tpu.memref_slice %arg5[%add3A_694, %dma_wait3A_700] : memref<128x50xi32, #tpu.memory_space<vmem>> -> memref<1x50xi32, #tpu.memory_space<vmem>>
      %dma_wait3A_702 = tpu.memref_squeeze %dma_wait3A_701 : memref<1x50xi32, #tpu.memory_space<vmem>> -> memref<50xi32, #tpu.memory_space<vmem>>
      %dma_wait3A_703 = arith.constant 0 : i32
      %dma_wait3A_704 = arith.constant 0 : i32
      %dma_wait3A_705 = tpu.memref_slice %arg3[%dma_wait3A_703, %dma_wait3A_704] : memref<100000x128xf32, #tpu.memory_space<hbm>> -> memref<100000x128xf32, #tpu.memory_space<hbm>>
      tpu.wait_indirect_dma semaphore(%arg20 : memref<!tpu.dma_semaphore, #tpu.memory_space<semaphore_mem>>) src(%dma_wait3A_705 : memref<100000x128xf32, #tpu.memory_space<hbm>>) dst(%dma_wait3A_699 : memref<50x128xf32, #tpu.memory_space<vmem>>)
      %mul3A_706 = arith.constant 2 : i32
      %mul3A_707 = arith.muli %add3A_690, %mul3A_706 : i32
      %add3A_708 = arith.constant 1 : i32
      %add3A_709 = arith.addi %mul3A_707, %add3A_708 : i32
      %dma_wait3A_710 = arith.constant 1 : i32
      %dma_wait3A_711 = arith.constant 0 : i32
      %dma_wait3A_712 = arith.constant 0 : i32
      %dma_wait3A_713 = tpu.memref_slice %arg12[%dma_wait3A_710, %dma_wait3A_711, %dma_wait3A_712] : memref<2x50x128xf32, #tpu.memory_space<vmem>> -> memref<1x50x128xf32, #tpu.memory_space<vmem>>
      %dma_wait3A_714 = tpu.memref_squeeze %dma_wait3A_713 : memref<1x50x128xf32, #tpu.memory_space<vmem>> -> memref<50x128xf32, #tpu.memory_space<vmem>>
      %dma_wait3A_715 = arith.constant 0 : i32
      %dma_wait3A_716 = tpu.memref_slice %arg5[%add3A_709, %dma_wait3A_715] : memref<128x50xi32, #tpu.memory_space<vmem>> -> memref<1x50xi32, #tpu.memory_space<vmem>>
      %dma_wait3A_717 = tpu.memref_squeeze %dma_wait3A_716 : memref<1x50xi32, #tpu.memory_space<vmem>> -> memref<50xi32, #tpu.memory_space<vmem>>
      %dma_wait3A_718 = arith.constant 0 : i32
      %dma_wait3A_719 = arith.constant 0 : i32
      %dma_wait3A_720 = tpu.memref_slice %arg3[%dma_wait3A_718, %dma_wait3A_719] : memref<100000x128xf32, #tpu.memory_space<hbm>> -> memref<100000x128xf32, #tpu.memory_space<hbm>>
      tpu.wait_indirect_dma semaphore(%arg20 : memref<!tpu.dma_semaphore, #tpu.memory_space<semaphore_mem>>) src(%dma_wait3A_720 : memref<100000x128xf32, #tpu.memory_space<hbm>>) dst(%dma_wait3A_714 : memref<50x128xf32, #tpu.memory_space<vmem>>)
      %mul3A_721 = arith.constant 2 : i32
      %mul3A_722 = arith.muli %add3A_690, %mul3A_721 : i32
      %add3A_723 = arith.addi %mul3A_2, %mul3A_722 : i32
      %dma_start3A_724 = arith.constant 0 : i32
      %dma_start3A_725 = arith.constant 0 : i32
      %dma_start3A_726 = tpu.memref_slice %arg4[%add3A_723, %dma_start3A_724, %dma_start3A_725] : memref<4096x50x128xf32, #tpu.memory_space<hbm>> -> memref<2x50x128xf32, #tpu.memory_space<hbm>>
      %dma_start3A_727 = arith.constant 0 : i32
      %dma_start3A_728 = arith.constant 0 : i32
      %dma_start3A_729 = tpu.memref_slice %arg4[%add3A_723, %dma_start3A_727, %dma_start3A_728] : memref<4096x50x128xf32, #tpu.memory_space<hbm>> -> memref<2x50x128xf32, #tpu.memory_space<hbm>>
      tpu.enqueue_dma source(%arg12 : memref<2x50x128xf32, #tpu.memory_space<vmem>>) target(%dma_start3A_729 : memref<2x50x128xf32, #tpu.memory_space<hbm>>) target_semaphore(%arg28 : memref<!tpu.dma_semaphore, #tpu.memory_space<semaphore_mem>>)
      %sub3A_730 = arith.constant 4 : i32
      %sub3A_731 = arith.subi %add3A_690, %sub3A_730 : i32
      %mul3A_732 = arith.constant 2 : i32
      %mul3A_733 = arith.muli %sub3A_731, %mul3A_732 : i32
      %add3A_734 = arith.addi %mul3A_2, %mul3A_733 : i32
      %dma_wait3A_735 = arith.constant 0 : i32
      %dma_wait3A_736 = arith.constant 0 : i32
      %dma_wait3A_737 = tpu.memref_slice %arg4[%add3A_734, %dma_wait3A_735, %dma_wait3A_736] : memref<4096x50x128xf32, #tpu.memory_space<hbm>> -> memref<2x50x128xf32, #tpu.memory_space<hbm>>
      %dma_wait3A_738 = arith.constant 0 : i32
      %dma_wait3A_739 = arith.constant 0 : i32
      %dma_wait3A_740 = tpu.memref_slice %arg4[%add3A_734, %dma_wait3A_738, %dma_wait3A_739] : memref<4096x50x128xf32, #tpu.memory_space<hbm>> -> memref<2x50x128xf32, #tpu.memory_space<hbm>>
      tpu.wait_dma2 semaphore(%arg24 : memref<!tpu.dma_semaphore, #tpu.memory_space<semaphore_mem>>) src(%arg8 : memref<2x50x128xf32, #tpu.memory_space<vmem>>) dst(%dma_wait3A_740 : memref<2x50x128xf32, #tpu.memory_space<hbm>>)
      %add3A_741 = arith.constant 8 : i32
      %add3A_742 = arith.addi %sub3A_731, %add3A_741 : i32
      %mul3A_743 = arith.constant 2 : i32
      %mul3A_744 = arith.muli %add3A_742, %mul3A_743 : i32
      %add3A_745 = arith.constant 0 : i32
      %add3A_746 = arith.addi %mul3A_744, %add3A_745 : i32
      %dma_start3A_747 = arith.constant 0 : i32
      %dma_start3A_748 = arith.constant 0 : i32
      %dma_start3A_749 = arith.constant 0 : i32
      %dma_start3A_750 = tpu.memref_slice %arg8[%dma_start3A_747, %dma_start3A_748, %dma_start3A_749] : memref<2x50x128xf32, #tpu.memory_space<vmem>> -> memref<1x50x128xf32, #tpu.memory_space<vmem>>
      %dma_start3A_751 = tpu.memref_squeeze %dma_start3A_750 : memref<1x50x128xf32, #tpu.memory_space<vmem>> -> memref<50x128xf32, #tpu.memory_space<vmem>>
      %dma_start3A_752 = arith.constant 0 : i32
      %dma_start3A_753 = tpu.memref_slice %arg5[%add3A_746, %dma_start3A_752] : memref<128x50xi32, #tpu.memory_space<vmem>> -> memref<1x50xi32, #tpu.memory_space<vmem>>
      %dma_start3A_754 = tpu.memref_squeeze %dma_start3A_753 : memref<1x50xi32, #tpu.memory_space<vmem>> -> memref<50xi32, #tpu.memory_space<vmem>>
      %dma_start3A_755 = arith.constant 0 : i32
      %dma_start3A_756 = arith.constant 0 : i32
      %dma_start3A_757 = tpu.memref_slice %arg3[%dma_start3A_755, %dma_start3A_756] : memref<100000x128xf32, #tpu.memory_space<hbm>> -> memref<100000x128xf32, #tpu.memory_space<hbm>>
      tpu.enqueue_indirect_dma source(%dma_start3A_757 : memref<100000x128xf32, #tpu.memory_space<hbm>>) target(%dma_start3A_751 : memref<50x128xf32, #tpu.memory_space<vmem>>) offsets(%dma_start3A_754 : memref<50xi32, #tpu.memory_space<vmem>>) semaphore(%arg16 : memref<!tpu.dma_semaphore, #tpu.memory_space<semaphore_mem>>)
      %mul3A_758 = arith.constant 2 : i32
      %mul3A_759 = arith.muli %add3A_742, %mul3A_758 : i32
      %add3A_760 = arith.constant 1 : i32
      %add3A_761 = arith.addi %mul3A_759, %add3A_760 : i32
      %dma_start3A_762 = arith.constant 1 : i32
      %dma_start3A_763 = arith.constant 0 : i32
      %dma_start3A_764 = arith.constant 0 : i32
      %dma_start3A_765 = tpu.memref_slice %arg8[%dma_start3A_762, %dma_start3A_763, %dma_start3A_764] : memref<2x50x128xf32, #tpu.memory_space<vmem>> -> memref<1x50x128xf32, #tpu.memory_space<vmem>>
      %dma_start3A_766 = tpu.memref_squeeze %dma_start3A_765 : memref<1x50x128xf32, #tpu.memory_space<vmem>> -> memref<50x128xf32, #tpu.memory_space<vmem>>
      %dma_start3A_767 = arith.constant 0 : i32
      %dma_start3A_768 = tpu.memref_slice %arg5[%add3A_761, %dma_start3A_767] : memref<128x50xi32, #tpu.memory_space<vmem>> -> memref<1x50xi32, #tpu.memory_space<vmem>>
      %dma_start3A_769 = tpu.memref_squeeze %dma_start3A_768 : memref<1x50xi32, #tpu.memory_space<vmem>> -> memref<50xi32, #tpu.memory_space<vmem>>
      %dma_start3A_770 = arith.constant 0 : i32
      %dma_start3A_771 = arith.constant 0 : i32
      %dma_start3A_772 = tpu.memref_slice %arg3[%dma_start3A_770, %dma_start3A_771] : memref<100000x128xf32, #tpu.memory_space<hbm>> -> memref<100000x128xf32, #tpu.memory_space<hbm>>
      tpu.enqueue_indirect_dma source(%dma_start3A_772 : memref<100000x128xf32, #tpu.memory_space<hbm>>) target(%dma_start3A_766 : memref<50x128xf32, #tpu.memory_space<vmem>>) offsets(%dma_start3A_769 : memref<50xi32, #tpu.memory_space<vmem>>) semaphore(%arg16 : memref<!tpu.dma_semaphore, #tpu.memory_space<semaphore_mem>>)
      %add3A_773 = arith.constant 3 : i32
      %add3A_774 = arith.addi %add3A_521, %add3A_773 : i32
      %mul3A_775 = arith.constant 2 : i32
      %mul3A_776 = arith.muli %add3A_774, %mul3A_775 : i32
      %add3A_777 = arith.constant 0 : i32
      %add3A_778 = arith.addi %mul3A_776, %add3A_777 : i32
      %dma_wait3A_779 = arith.constant 0 : i32
      %dma_wait3A_780 = arith.constant 0 : i32
      %dma_wait3A_781 = arith.constant 0 : i32
      %dma_wait3A_782 = tpu.memref_slice %arg13[%dma_wait3A_779, %dma_wait3A_780, %dma_wait3A_781] : memref<2x50x128xf32, #tpu.memory_space<vmem>> -> memref<1x50x128xf32, #tpu.memory_space<vmem>>
      %dma_wait3A_783 = tpu.memref_squeeze %dma_wait3A_782 : memref<1x50x128xf32, #tpu.memory_space<vmem>> -> memref<50x128xf32, #tpu.memory_space<vmem>>
      %dma_wait3A_784 = arith.constant 0 : i32
      %dma_wait3A_785 = tpu.memref_slice %arg5[%add3A_778, %dma_wait3A_784] : memref<128x50xi32, #tpu.memory_space<vmem>> -> memref<1x50xi32, #tpu.memory_space<vmem>>
      %dma_wait3A_786 = tpu.memref_squeeze %dma_wait3A_785 : memref<1x50xi32, #tpu.memory_space<vmem>> -> memref<50xi32, #tpu.memory_space<vmem>>
      %dma_wait3A_787 = arith.constant 0 : i32
      %dma_wait3A_788 = arith.constant 0 : i32
      %dma_wait3A_789 = tpu.memref_slice %arg3[%dma_wait3A_787, %dma_wait3A_788] : memref<100000x128xf32, #tpu.memory_space<hbm>> -> memref<100000x128xf32, #tpu.memory_space<hbm>>
      tpu.wait_indirect_dma semaphore(%arg21 : memref<!tpu.dma_semaphore, #tpu.memory_space<semaphore_mem>>) src(%dma_wait3A_789 : memref<100000x128xf32, #tpu.memory_space<hbm>>) dst(%dma_wait3A_783 : memref<50x128xf32, #tpu.memory_space<vmem>>)
      %mul3A_790 = arith.constant 2 : i32
      %mul3A_791 = arith.muli %add3A_774, %mul3A_790 : i32
      %add3A_792 = arith.constant 1 : i32
      %add3A_793 = arith.addi %mul3A_791, %add3A_792 : i32
      %dma_wait3A_794 = arith.constant 1 : i32
      %dma_wait3A_795 = arith.constant 0 : i32
      %dma_wait3A_796 = arith.constant 0 : i32
      %dma_wait3A_797 = tpu.memref_slice %arg13[%dma_wait3A_794, %dma_wait3A_795, %dma_wait3A_796] : memref<2x50x128xf32, #tpu.memory_space<vmem>> -> memref<1x50x128xf32, #tpu.memory_space<vmem>>
      %dma_wait3A_798 = tpu.memref_squeeze %dma_wait3A_797 : memref<1x50x128xf32, #tpu.memory_space<vmem>> -> memref<50x128xf32, #tpu.memory_space<vmem>>
      %dma_wait3A_799 = arith.constant 0 : i32
      %dma_wait3A_800 = tpu.memref_slice %arg5[%add3A_793, %dma_wait3A_799] : memref<128x50xi32, #tpu.memory_space<vmem>> -> memref<1x50xi32, #tpu.memory_space<vmem>>
      %dma_wait3A_801 = tpu.memref_squeeze %dma_wait3A_800 : memref<1x50xi32, #tpu.memory_space<vmem>> -> memref<50xi32, #tpu.memory_space<vmem>>
      %dma_wait3A_802 = arith.constant 0 : i32
      %dma_wait3A_803 = arith.constant 0 : i32
      %dma_wait3A_804 = tpu.memref_slice %arg3[%dma_wait3A_802, %dma_wait3A_803] : memref<100000x128xf32, #tpu.memory_space<hbm>> -> memref<100000x128xf32, #tpu.memory_space<hbm>>
      tpu.wait_indirect_dma semaphore(%arg21 : memref<!tpu.dma_semaphore, #tpu.memory_space<semaphore_mem>>) src(%dma_wait3A_804 : memref<100000x128xf32, #tpu.memory_space<hbm>>) dst(%dma_wait3A_798 : memref<50x128xf32, #tpu.memory_space<vmem>>)
      %mul3A_805 = arith.constant 2 : i32
      %mul3A_806 = arith.muli %add3A_774, %mul3A_805 : i32
      %add3A_807 = arith.addi %mul3A_2, %mul3A_806 : i32
      %dma_start3A_808 = arith.constant 0 : i32
      %dma_start3A_809 = arith.constant 0 : i32
      %dma_start3A_810 = tpu.memref_slice %arg4[%add3A_807, %dma_start3A_808, %dma_start3A_809] : memref<4096x50x128xf32, #tpu.memory_space<hbm>> -> memref<2x50x128xf32, #tpu.memory_space<hbm>>
      %dma_start3A_811 = arith.constant 0 : i32
      %dma_start3A_812 = arith.constant 0 : i32
      %dma_start3A_813 = tpu.memref_slice %arg4[%add3A_807, %dma_start3A_811, %dma_start3A_812] : memref<4096x50x128xf32, #tpu.memory_space<hbm>> -> memref<2x50x128xf32, #tpu.memory_space<hbm>>
      tpu.enqueue_dma source(%arg13 : memref<2x50x128xf32, #tpu.memory_space<vmem>>) target(%dma_start3A_813 : memref<2x50x128xf32, #tpu.memory_space<hbm>>) target_semaphore(%arg29 : memref<!tpu.dma_semaphore, #tpu.memory_space<semaphore_mem>>)
      %sub3A_814 = arith.constant 4 : i32
      %sub3A_815 = arith.subi %add3A_774, %sub3A_814 : i32
      %mul3A_816 = arith.constant 2 : i32
      %mul3A_817 = arith.muli %sub3A_815, %mul3A_816 : i32
      %add3A_818 = arith.addi %mul3A_2, %mul3A_817 : i32
      %dma_wait3A_819 = arith.constant 0 : i32
      %dma_wait3A_820 = arith.constant 0 : i32
      %dma_wait3A_821 = tpu.memref_slice %arg4[%add3A_818, %dma_wait3A_819, %dma_wait3A_820] : memref<4096x50x128xf32, #tpu.memory_space<hbm>> -> memref<2x50x128xf32, #tpu.memory_space<hbm>>
      %dma_wait3A_822 = arith.constant 0 : i32
      %dma_wait3A_823 = arith.constant 0 : i32
      %dma_wait3A_824 = tpu.memref_slice %arg4[%add3A_818, %dma_wait3A_822, %dma_wait3A_823] : memref<4096x50x128xf32, #tpu.memory_space<hbm>> -> memref<2x50x128xf32, #tpu.memory_space<hbm>>
      tpu.wait_dma2 semaphore(%arg25 : memref<!tpu.dma_semaphore, #tpu.memory_space<semaphore_mem>>) src(%arg9 : memref<2x50x128xf32, #tpu.memory_space<vmem>>) dst(%dma_wait3A_824 : memref<2x50x128xf32, #tpu.memory_space<hbm>>)
      %add3A_825 = arith.constant 8 : i32
      %add3A_826 = arith.addi %sub3A_815, %add3A_825 : i32
      %mul3A_827 = arith.constant 2 : i32
      %mul3A_828 = arith.muli %add3A_826, %mul3A_827 : i32
      %add3A_829 = arith.constant 0 : i32
      %add3A_830 = arith.addi %mul3A_828, %add3A_829 : i32
      %dma_start3A_831 = arith.constant 0 : i32
      %dma_start3A_832 = arith.constant 0 : i32
      %dma_start3A_833 = arith.constant 0 : i32
      %dma_start3A_834 = tpu.memref_slice %arg9[%dma_start3A_831, %dma_start3A_832, %dma_start3A_833] : memref<2x50x128xf32, #tpu.memory_space<vmem>> -> memref<1x50x128xf32, #tpu.memory_space<vmem>>
      %dma_start3A_835 = tpu.memref_squeeze %dma_start3A_834 : memref<1x50x128xf32, #tpu.memory_space<vmem>> -> memref<50x128xf32, #tpu.memory_space<vmem>>
      %dma_start3A_836 = arith.constant 0 : i32
      %dma_start3A_837 = tpu.memref_slice %arg5[%add3A_830, %dma_start3A_836] : memref<128x50xi32, #tpu.memory_space<vmem>> -> memref<1x50xi32, #tpu.memory_space<vmem>>
      %dma_start3A_838 = tpu.memref_squeeze %dma_start3A_837 : memref<1x50xi32, #tpu.memory_space<vmem>> -> memref<50xi32, #tpu.memory_space<vmem>>
      %dma_start3A_839 = arith.constant 0 : i32
      %dma_start3A_840 = arith.constant 0 : i32
      %dma_start3A_841 = tpu.memref_slice %arg3[%dma_start3A_839, %dma_start3A_840] : memref<100000x128xf32, #tpu.memory_space<hbm>> -> memref<100000x128xf32, #tpu.memory_space<hbm>>
      tpu.enqueue_indirect_dma source(%dma_start3A_841 : memref<100000x128xf32, #tpu.memory_space<hbm>>) target(%dma_start3A_835 : memref<50x128xf32, #tpu.memory_space<vmem>>) offsets(%dma_start3A_838 : memref<50xi32, #tpu.memory_space<vmem>>) semaphore(%arg17 : memref<!tpu.dma_semaphore, #tpu.memory_space<semaphore_mem>>)
      %mul3A_842 = arith.constant 2 : i32
      %mul3A_843 = arith.muli %add3A_826, %mul3A_842 : i32
      %add3A_844 = arith.constant 1 : i32
      %add3A_845 = arith.addi %mul3A_843, %add3A_844 : i32
      %dma_start3A_846 = arith.constant 1 : i32
      %dma_start3A_847 = arith.constant 0 : i32
      %dma_start3A_848 = arith.constant 0 : i32
      %dma_start3A_849 = tpu.memref_slice %arg9[%dma_start3A_846, %dma_start3A_847, %dma_start3A_848] : memref<2x50x128xf32, #tpu.memory_space<vmem>> -> memref<1x50x128xf32, #tpu.memory_space<vmem>>
      %dma_start3A_850 = tpu.memref_squeeze %dma_start3A_849 : memref<1x50x128xf32, #tpu.memory_space<vmem>> -> memref<50x128xf32, #tpu.memory_space<vmem>>
      %dma_start3A_851 = arith.constant 0 : i32
      %dma_start3A_852 = tpu.memref_slice %arg5[%add3A_845, %dma_start3A_851] : memref<128x50xi32, #tpu.memory_space<vmem>> -> memref<1x50xi32, #tpu.memory_space<vmem>>
      %dma_start3A_853 = tpu.memref_squeeze %dma_start3A_852 : memref<1x50xi32, #tpu.memory_space<vmem>> -> memref<50xi32, #tpu.memory_space<vmem>>
      %dma_start3A_854 = arith.constant 0 : i32
      %dma_start3A_855 = arith.constant 0 : i32
      %dma_start3A_856 = tpu.memref_slice %arg3[%dma_start3A_854, %dma_start3A_855] : memref<100000x128xf32, #tpu.memory_space<hbm>> -> memref<100000x128xf32, #tpu.memory_space<hbm>>
      tpu.enqueue_indirect_dma source(%dma_start3A_856 : memref<100000x128xf32, #tpu.memory_space<hbm>>) target(%dma_start3A_850 : memref<50x128xf32, #tpu.memory_space<vmem>>) offsets(%dma_start3A_853 : memref<50xi32, #tpu.memory_space<vmem>>) semaphore(%arg17 : memref<!tpu.dma_semaphore, #tpu.memory_space<semaphore_mem>>)
      %add3A_857 = arith.constant 4 : i32
      %add3A_858 = arith.addi %add3A_521, %add3A_857 : i32
      %mul3A_859 = arith.constant 2 : i32
      %mul3A_860 = arith.muli %add3A_858, %mul3A_859 : i32
      %add3A_861 = arith.constant 0 : i32
      %add3A_862 = arith.addi %mul3A_860, %add3A_861 : i32
      %dma_wait3A_863 = arith.constant 0 : i32
      %dma_wait3A_864 = arith.constant 0 : i32
      %dma_wait3A_865 = arith.constant 0 : i32
      %dma_wait3A_866 = tpu.memref_slice %arg6[%dma_wait3A_863, %dma_wait3A_864, %dma_wait3A_865] : memref<2x50x128xf32, #tpu.memory_space<vmem>> -> memref<1x50x128xf32, #tpu.memory_space<vmem>>
      %dma_wait3A_867 = tpu.memref_squeeze %dma_wait3A_866 : memref<1x50x128xf32, #tpu.memory_space<vmem>> -> memref<50x128xf32, #tpu.memory_space<vmem>>
      %dma_wait3A_868 = arith.constant 0 : i32
      %dma_wait3A_869 = tpu.memref_slice %arg5[%add3A_862, %dma_wait3A_868] : memref<128x50xi32, #tpu.memory_space<vmem>> -> memref<1x50xi32, #tpu.memory_space<vmem>>
      %dma_wait3A_870 = tpu.memref_squeeze %dma_wait3A_869 : memref<1x50xi32, #tpu.memory_space<vmem>> -> memref<50xi32, #tpu.memory_space<vmem>>
      %dma_wait3A_871 = arith.constant 0 : i32
      %dma_wait3A_872 = arith.constant 0 : i32
      %dma_wait3A_873 = tpu.memref_slice %arg3[%dma_wait3A_871, %dma_wait3A_872] : memref<100000x128xf32, #tpu.memory_space<hbm>> -> memref<100000x128xf32, #tpu.memory_space<hbm>>
      tpu.wait_indirect_dma semaphore(%arg14 : memref<!tpu.dma_semaphore, #tpu.memory_space<semaphore_mem>>) src(%dma_wait3A_873 : memref<100000x128xf32, #tpu.memory_space<hbm>>) dst(%dma_wait3A_867 : memref<50x128xf32, #tpu.memory_space<vmem>>)
      %mul3A_874 = arith.constant 2 : i32
      %mul3A_875 = arith.muli %add3A_858, %mul3A_874 : i32
      %add3A_876 = arith.constant 1 : i32
      %add3A_877 = arith.addi %mul3A_875, %add3A_876 : i32
      %dma_wait3A_878 = arith.constant 1 : i32
      %dma_wait3A_879 = arith.constant 0 : i32
      %dma_wait3A_880 = arith.constant 0 : i32
      %dma_wait3A_881 = tpu.memref_slice %arg6[%dma_wait3A_878, %dma_wait3A_879, %dma_wait3A_880] : memref<2x50x128xf32, #tpu.memory_space<vmem>> -> memref<1x50x128xf32, #tpu.memory_space<vmem>>
      %dma_wait3A_882 = tpu.memref_squeeze %dma_wait3A_881 : memref<1x50x128xf32, #tpu.memory_space<vmem>> -> memref<50x128xf32, #tpu.memory_space<vmem>>
      %dma_wait3A_883 = arith.constant 0 : i32
      %dma_wait3A_884 = tpu.memref_slice %arg5[%add3A_877, %dma_wait3A_883] : memref<128x50xi32, #tpu.memory_space<vmem>> -> memref<1x50xi32, #tpu.memory_space<vmem>>
      %dma_wait3A_885 = tpu.memref_squeeze %dma_wait3A_884 : memref<1x50xi32, #tpu.memory_space<vmem>> -> memref<50xi32, #tpu.memory_space<vmem>>
      %dma_wait3A_886 = arith.constant 0 : i32
      %dma_wait3A_887 = arith.constant 0 : i32
      %dma_wait3A_888 = tpu.memref_slice %arg3[%dma_wait3A_886, %dma_wait3A_887] : memref<100000x128xf32, #tpu.memory_space<hbm>> -> memref<100000x128xf32, #tpu.memory_space<hbm>>
      tpu.wait_indirect_dma semaphore(%arg14 : memref<!tpu.dma_semaphore, #tpu.memory_space<semaphore_mem>>) src(%dma_wait3A_888 : memref<100000x128xf32, #tpu.memory_space<hbm>>) dst(%dma_wait3A_882 : memref<50x128xf32, #tpu.memory_space<vmem>>)
      %mul3A_889 = arith.constant 2 : i32
      %mul3A_890 = arith.muli %add3A_858, %mul3A_889 : i32
      %add3A_891 = arith.addi %mul3A_2, %mul3A_890 : i32
      %dma_start3A_892 = arith.constant 0 : i32
      %dma_start3A_893 = arith.constant 0 : i32
      %dma_start3A_894 = tpu.memref_slice %arg4[%add3A_891, %dma_start3A_892, %dma_start3A_893] : memref<4096x50x128xf32, #tpu.memory_space<hbm>> -> memref<2x50x128xf32, #tpu.memory_space<hbm>>
      %dma_start3A_895 = arith.constant 0 : i32
      %dma_start3A_896 = arith.constant 0 : i32
      %dma_start3A_897 = tpu.memref_slice %arg4[%add3A_891, %dma_start3A_895, %dma_start3A_896] : memref<4096x50x128xf32, #tpu.memory_space<hbm>> -> memref<2x50x128xf32, #tpu.memory_space<hbm>>
      tpu.enqueue_dma source(%arg6 : memref<2x50x128xf32, #tpu.memory_space<vmem>>) target(%dma_start3A_897 : memref<2x50x128xf32, #tpu.memory_space<hbm>>) target_semaphore(%arg22 : memref<!tpu.dma_semaphore, #tpu.memory_space<semaphore_mem>>)
      %sub3A_898 = arith.constant 4 : i32
      %sub3A_899 = arith.subi %add3A_858, %sub3A_898 : i32
      %mul3A_900 = arith.constant 2 : i32
      %mul3A_901 = arith.muli %sub3A_899, %mul3A_900 : i32
      %add3A_902 = arith.addi %mul3A_2, %mul3A_901 : i32
      %dma_wait3A_903 = arith.constant 0 : i32
      %dma_wait3A_904 = arith.constant 0 : i32
      %dma_wait3A_905 = tpu.memref_slice %arg4[%add3A_902, %dma_wait3A_903, %dma_wait3A_904] : memref<4096x50x128xf32, #tpu.memory_space<hbm>> -> memref<2x50x128xf32, #tpu.memory_space<hbm>>
      %dma_wait3A_906 = arith.constant 0 : i32
      %dma_wait3A_907 = arith.constant 0 : i32
      %dma_wait3A_908 = tpu.memref_slice %arg4[%add3A_902, %dma_wait3A_906, %dma_wait3A_907] : memref<4096x50x128xf32, #tpu.memory_space<hbm>> -> memref<2x50x128xf32, #tpu.memory_space<hbm>>
      tpu.wait_dma2 semaphore(%arg26 : memref<!tpu.dma_semaphore, #tpu.memory_space<semaphore_mem>>) src(%arg10 : memref<2x50x128xf32, #tpu.memory_space<vmem>>) dst(%dma_wait3A_908 : memref<2x50x128xf32, #tpu.memory_space<hbm>>)
      %add3A_909 = arith.constant 8 : i32
      %add3A_910 = arith.addi %sub3A_899, %add3A_909 : i32
      %mul3A_911 = arith.constant 2 : i32
      %mul3A_912 = arith.muli %add3A_910, %mul3A_911 : i32
      %add3A_913 = arith.constant 0 : i32
      %add3A_914 = arith.addi %mul3A_912, %add3A_913 : i32
      %dma_start3A_915 = arith.constant 0 : i32
      %dma_start3A_916 = arith.constant 0 : i32
      %dma_start3A_917 = arith.constant 0 : i32
      %dma_start3A_918 = tpu.memref_slice %arg10[%dma_start3A_915, %dma_start3A_916, %dma_start3A_917] : memref<2x50x128xf32, #tpu.memory_space<vmem>> -> memref<1x50x128xf32, #tpu.memory_space<vmem>>
      %dma_start3A_919 = tpu.memref_squeeze %dma_start3A_918 : memref<1x50x128xf32, #tpu.memory_space<vmem>> -> memref<50x128xf32, #tpu.memory_space<vmem>>
      %dma_start3A_920 = arith.constant 0 : i32
      %dma_start3A_921 = tpu.memref_slice %arg5[%add3A_914, %dma_start3A_920] : memref<128x50xi32, #tpu.memory_space<vmem>> -> memref<1x50xi32, #tpu.memory_space<vmem>>
      %dma_start3A_922 = tpu.memref_squeeze %dma_start3A_921 : memref<1x50xi32, #tpu.memory_space<vmem>> -> memref<50xi32, #tpu.memory_space<vmem>>
      %dma_start3A_923 = arith.constant 0 : i32
      %dma_start3A_924 = arith.constant 0 : i32
      %dma_start3A_925 = tpu.memref_slice %arg3[%dma_start3A_923, %dma_start3A_924] : memref<100000x128xf32, #tpu.memory_space<hbm>> -> memref<100000x128xf32, #tpu.memory_space<hbm>>
      tpu.enqueue_indirect_dma source(%dma_start3A_925 : memref<100000x128xf32, #tpu.memory_space<hbm>>) target(%dma_start3A_919 : memref<50x128xf32, #tpu.memory_space<vmem>>) offsets(%dma_start3A_922 : memref<50xi32, #tpu.memory_space<vmem>>) semaphore(%arg18 : memref<!tpu.dma_semaphore, #tpu.memory_space<semaphore_mem>>)
      %mul3A_926 = arith.constant 2 : i32
      %mul3A_927 = arith.muli %add3A_910, %mul3A_926 : i32
      %add3A_928 = arith.constant 1 : i32
      %add3A_929 = arith.addi %mul3A_927, %add3A_928 : i32
      %dma_start3A_930 = arith.constant 1 : i32
      %dma_start3A_931 = arith.constant 0 : i32
      %dma_start3A_932 = arith.constant 0 : i32
      %dma_start3A_933 = tpu.memref_slice %arg10[%dma_start3A_930, %dma_start3A_931, %dma_start3A_932] : memref<2x50x128xf32, #tpu.memory_space<vmem>> -> memref<1x50x128xf32, #tpu.memory_space<vmem>>
      %dma_start3A_934 = tpu.memref_squeeze %dma_start3A_933 : memref<1x50x128xf32, #tpu.memory_space<vmem>> -> memref<50x128xf32, #tpu.memory_space<vmem>>
      %dma_start3A_935 = arith.constant 0 : i32
      %dma_start3A_936 = tpu.memref_slice %arg5[%add3A_929, %dma_start3A_935] : memref<128x50xi32, #tpu.memory_space<vmem>> -> memref<1x50xi32, #tpu.memory_space<vmem>>
      %dma_start3A_937 = tpu.memref_squeeze %dma_start3A_936 : memref<1x50xi32, #tpu.memory_space<vmem>> -> memref<50xi32, #tpu.memory_space<vmem>>
      %dma_start3A_938 = arith.constant 0 : i32
      %dma_start3A_939 = arith.constant 0 : i32
      %dma_start3A_940 = tpu.memref_slice %arg3[%dma_start3A_938, %dma_start3A_939] : memref<100000x128xf32, #tpu.memory_space<hbm>> -> memref<100000x128xf32, #tpu.memory_space<hbm>>
      tpu.enqueue_indirect_dma source(%dma_start3A_940 : memref<100000x128xf32, #tpu.memory_space<hbm>>) target(%dma_start3A_934 : memref<50x128xf32, #tpu.memory_space<vmem>>) offsets(%dma_start3A_937 : memref<50xi32, #tpu.memory_space<vmem>>) semaphore(%arg18 : memref<!tpu.dma_semaphore, #tpu.memory_space<semaphore_mem>>)
      %add3A_941 = arith.constant 5 : i32
      %add3A_942 = arith.addi %add3A_521, %add3A_941 : i32
      %mul3A_943 = arith.constant 2 : i32
      %mul3A_944 = arith.muli %add3A_942, %mul3A_943 : i32
      %add3A_945 = arith.constant 0 : i32
      %add3A_946 = arith.addi %mul3A_944, %add3A_945 : i32
      %dma_wait3A_947 = arith.constant 0 : i32
      %dma_wait3A_948 = arith.constant 0 : i32
      %dma_wait3A_949 = arith.constant 0 : i32
      %dma_wait3A_950 = tpu.memref_slice %arg7[%dma_wait3A_947, %dma_wait3A_948, %dma_wait3A_949] : memref<2x50x128xf32, #tpu.memory_space<vmem>> -> memref<1x50x128xf32, #tpu.memory_space<vmem>>
      %dma_wait3A_951 = tpu.memref_squeeze %dma_wait3A_950 : memref<1x50x128xf32, #tpu.memory_space<vmem>> -> memref<50x128xf32, #tpu.memory_space<vmem>>
      %dma_wait3A_952 = arith.constant 0 : i32
      %dma_wait3A_953 = tpu.memref_slice %arg5[%add3A_946, %dma_wait3A_952] : memref<128x50xi32, #tpu.memory_space<vmem>> -> memref<1x50xi32, #tpu.memory_space<vmem>>
      %dma_wait3A_954 = tpu.memref_squeeze %dma_wait3A_953 : memref<1x50xi32, #tpu.memory_space<vmem>> -> memref<50xi32, #tpu.memory_space<vmem>>
      %dma_wait3A_955 = arith.constant 0 : i32
      %dma_wait3A_956 = arith.constant 0 : i32
      %dma_wait3A_957 = tpu.memref_slice %arg3[%dma_wait3A_955, %dma_wait3A_956] : memref<100000x128xf32, #tpu.memory_space<hbm>> -> memref<100000x128xf32, #tpu.memory_space<hbm>>
      tpu.wait_indirect_dma semaphore(%arg15 : memref<!tpu.dma_semaphore, #tpu.memory_space<semaphore_mem>>) src(%dma_wait3A_957 : memref<100000x128xf32, #tpu.memory_space<hbm>>) dst(%dma_wait3A_951 : memref<50x128xf32, #tpu.memory_space<vmem>>)
      %mul3A_958 = arith.constant 2 : i32
      %mul3A_959 = arith.muli %add3A_942, %mul3A_958 : i32
      %add3A_960 = arith.constant 1 : i32
      %add3A_961 = arith.addi %mul3A_959, %add3A_960 : i32
      %dma_wait3A_962 = arith.constant 1 : i32
      %dma_wait3A_963 = arith.constant 0 : i32
      %dma_wait3A_964 = arith.constant 0 : i32
      %dma_wait3A_965 = tpu.memref_slice %arg7[%dma_wait3A_962, %dma_wait3A_963, %dma_wait3A_964] : memref<2x50x128xf32, #tpu.memory_space<vmem>> -> memref<1x50x128xf32, #tpu.memory_space<vmem>>
      %dma_wait3A_966 = tpu.memref_squeeze %dma_wait3A_965 : memref<1x50x128xf32, #tpu.memory_space<vmem>> -> memref<50x128xf32, #tpu.memory_space<vmem>>
      %dma_wait3A_967 = arith.constant 0 : i32
      %dma_wait3A_968 = tpu.memref_slice %arg5[%add3A_961, %dma_wait3A_967] : memref<128x50xi32, #tpu.memory_space<vmem>> -> memref<1x50xi32, #tpu.memory_space<vmem>>
      %dma_wait3A_969 = tpu.memref_squeeze %dma_wait3A_968 : memref<1x50xi32, #tpu.memory_space<vmem>> -> memref<50xi32, #tpu.memory_space<vmem>>
      %dma_wait3A_970 = arith.constant 0 : i32
      %dma_wait3A_971 = arith.constant 0 : i32
      %dma_wait3A_972 = tpu.memref_slice %arg3[%dma_wait3A_970, %dma_wait3A_971] : memref<100000x128xf32, #tpu.memory_space<hbm>> -> memref<100000x128xf32, #tpu.memory_space<hbm>>
      tpu.wait_indirect_dma semaphore(%arg15 : memref<!tpu.dma_semaphore, #tpu.memory_space<semaphore_mem>>) src(%dma_wait3A_972 : memref<100000x128xf32, #tpu.memory_space<hbm>>) dst(%dma_wait3A_966 : memref<50x128xf32, #tpu.memory_space<vmem>>)
      %mul3A_973 = arith.constant 2 : i32
      %mul3A_974 = arith.muli %add3A_942, %mul3A_973 : i32
      %add3A_975 = arith.addi %mul3A_2, %mul3A_974 : i32
      %dma_start3A_976 = arith.constant 0 : i32
      %dma_start3A_977 = arith.constant 0 : i32
      %dma_start3A_978 = tpu.memref_slice %arg4[%add3A_975, %dma_start3A_976, %dma_start3A_977] : memref<4096x50x128xf32, #tpu.memory_space<hbm>> -> memref<2x50x128xf32, #tpu.memory_space<hbm>>
      %dma_start3A_979 = arith.constant 0 : i32
      %dma_start3A_980 = arith.constant 0 : i32
      %dma_start3A_981 = tpu.memref_slice %arg4[%add3A_975, %dma_start3A_979, %dma_start3A_980] : memref<4096x50x128xf32, #tpu.memory_space<hbm>> -> memref<2x50x128xf32, #tpu.memory_space<hbm>>
      tpu.enqueue_dma source(%arg7 : memref<2x50x128xf32, #tpu.memory_space<vmem>>) target(%dma_start3A_981 : memref<2x50x128xf32, #tpu.memory_space<hbm>>) target_semaphore(%arg23 : memref<!tpu.dma_semaphore, #tpu.memory_space<semaphore_mem>>)
      %sub3A_982 = arith.constant 4 : i32
      %sub3A_983 = arith.subi %add3A_942, %sub3A_982 : i32
      %mul3A_984 = arith.constant 2 : i32
      %mul3A_985 = arith.muli %sub3A_983, %mul3A_984 : i32
      %add3A_986 = arith.addi %mul3A_2, %mul3A_985 : i32
      %dma_wait3A_987 = arith.constant 0 : i32
      %dma_wait3A_988 = arith.constant 0 : i32
      %dma_wait3A_989 = tpu.memref_slice %arg4[%add3A_986, %dma_wait3A_987, %dma_wait3A_988] : memref<4096x50x128xf32, #tpu.memory_space<hbm>> -> memref<2x50x128xf32, #tpu.memory_space<hbm>>
      %dma_wait3A_990 = arith.constant 0 : i32
      %dma_wait3A_991 = arith.constant 0 : i32
      %dma_wait3A_992 = tpu.memref_slice %arg4[%add3A_986, %dma_wait3A_990, %dma_wait3A_991] : memref<4096x50x128xf32, #tpu.memory_space<hbm>> -> memref<2x50x128xf32, #tpu.memory_space<hbm>>
      tpu.wait_dma2 semaphore(%arg27 : memref<!tpu.dma_semaphore, #tpu.memory_space<semaphore_mem>>) src(%arg11 : memref<2x50x128xf32, #tpu.memory_space<vmem>>) dst(%dma_wait3A_992 : memref<2x50x128xf32, #tpu.memory_space<hbm>>)
      %add3A_993 = arith.constant 8 : i32
      %add3A_994 = arith.addi %sub3A_983, %add3A_993 : i32
      %mul3A_995 = arith.constant 2 : i32
      %mul3A_996 = arith.muli %add3A_994, %mul3A_995 : i32
      %add3A_997 = arith.constant 0 : i32
      %add3A_998 = arith.addi %mul3A_996, %add3A_997 : i32
      %dma_start3A_999 = arith.constant 0 : i32
      %dma_start3A_1000 = arith.constant 0 : i32
      %dma_start3A_1001 = arith.constant 0 : i32
      %dma_start3A_1002 = tpu.memref_slice %arg11[%dma_start3A_999, %dma_start3A_1000, %dma_start3A_1001] : memref<2x50x128xf32, #tpu.memory_space<vmem>> -> memref<1x50x128xf32, #tpu.memory_space<vmem>>
      %dma_start3A_1003 = tpu.memref_squeeze %dma_start3A_1002 : memref<1x50x128xf32, #tpu.memory_space<vmem>> -> memref<50x128xf32, #tpu.memory_space<vmem>>
      %dma_start3A_1004 = arith.constant 0 : i32
      %dma_start3A_1005 = tpu.memref_slice %arg5[%add3A_998, %dma_start3A_1004] : memref<128x50xi32, #tpu.memory_space<vmem>> -> memref<1x50xi32, #tpu.memory_space<vmem>>
      %dma_start3A_1006 = tpu.memref_squeeze %dma_start3A_1005 : memref<1x50xi32, #tpu.memory_space<vmem>> -> memref<50xi32, #tpu.memory_space<vmem>>
      %dma_start3A_1007 = arith.constant 0 : i32
      %dma_start3A_1008 = arith.constant 0 : i32
      %dma_start3A_1009 = tpu.memref_slice %arg3[%dma_start3A_1007, %dma_start3A_1008] : memref<100000x128xf32, #tpu.memory_space<hbm>> -> memref<100000x128xf32, #tpu.memory_space<hbm>>
      tpu.enqueue_indirect_dma source(%dma_start3A_1009 : memref<100000x128xf32, #tpu.memory_space<hbm>>) target(%dma_start3A_1003 : memref<50x128xf32, #tpu.memory_space<vmem>>) offsets(%dma_start3A_1006 : memref<50xi32, #tpu.memory_space<vmem>>) semaphore(%arg19 : memref<!tpu.dma_semaphore, #tpu.memory_space<semaphore_mem>>)
      %mul3A_1010 = arith.constant 2 : i32
      %mul3A_1011 = arith.muli %add3A_994, %mul3A_1010 : i32
      %add3A_1012 = arith.constant 1 : i32
      %add3A_1013 = arith.addi %mul3A_1011, %add3A_1012 : i32
      %dma_start3A_1014 = arith.constant 1 : i32
      %dma_start3A_1015 = arith.constant 0 : i32
      %dma_start3A_1016 = arith.constant 0 : i32
      %dma_start3A_1017 = tpu.memref_slice %arg11[%dma_start3A_1014, %dma_start3A_1015, %dma_start3A_1016] : memref<2x50x128xf32, #tpu.memory_space<vmem>> -> memref<1x50x128xf32, #tpu.memory_space<vmem>>
      %dma_start3A_1018 = tpu.memref_squeeze %dma_start3A_1017 : memref<1x50x128xf32, #tpu.memory_space<vmem>> -> memref<50x128xf32, #tpu.memory_space<vmem>>
      %dma_start3A_1019 = arith.constant 0 : i32
      %dma_start3A_1020 = tpu.memref_slice %arg5[%add3A_1013, %dma_start3A_1019] : memref<128x50xi32, #tpu.memory_space<vmem>> -> memref<1x50xi32, #tpu.memory_space<vmem>>
      %dma_start3A_1021 = tpu.memref_squeeze %dma_start3A_1020 : memref<1x50xi32, #tpu.memory_space<vmem>> -> memref<50xi32, #tpu.memory_space<vmem>>
      %dma_start3A_1022 = arith.constant 0 : i32
      %dma_start3A_1023 = arith.constant 0 : i32
      %dma_start3A_1024 = tpu.memref_slice %arg3[%dma_start3A_1022, %dma_start3A_1023] : memref<100000x128xf32, #tpu.memory_space<hbm>> -> memref<100000x128xf32, #tpu.memory_space<hbm>>
      tpu.enqueue_indirect_dma source(%dma_start3A_1024 : memref<100000x128xf32, #tpu.memory_space<hbm>>) target(%dma_start3A_1018 : memref<50x128xf32, #tpu.memory_space<vmem>>) offsets(%dma_start3A_1021 : memref<50xi32, #tpu.memory_space<vmem>>) semaphore(%arg19 : memref<!tpu.dma_semaphore, #tpu.memory_space<semaphore_mem>>)
      %add3A_1025 = arith.constant 6 : i32
      %add3A_1026 = arith.addi %add3A_521, %add3A_1025 : i32
      %mul3A_1027 = arith.constant 2 : i32
      %mul3A_1028 = arith.muli %add3A_1026, %mul3A_1027 : i32
      %add3A_1029 = arith.constant 0 : i32
      %add3A_1030 = arith.addi %mul3A_1028, %add3A_1029 : i32
      %dma_wait3A_1031 = arith.constant 0 : i32
      %dma_wait3A_1032 = arith.constant 0 : i32
      %dma_wait3A_1033 = arith.constant 0 : i32
      %dma_wait3A_1034 = tpu.memref_slice %arg8[%dma_wait3A_1031, %dma_wait3A_1032, %dma_wait3A_1033] : memref<2x50x128xf32, #tpu.memory_space<vmem>> -> memref<1x50x128xf32, #tpu.memory_space<vmem>>
      %dma_wait3A_1035 = tpu.memref_squeeze %dma_wait3A_1034 : memref<1x50x128xf32, #tpu.memory_space<vmem>> -> memref<50x128xf32, #tpu.memory_space<vmem>>
      %dma_wait3A_1036 = arith.constant 0 : i32
      %dma_wait3A_1037 = tpu.memref_slice %arg5[%add3A_1030, %dma_wait3A_1036] : memref<128x50xi32, #tpu.memory_space<vmem>> -> memref<1x50xi32, #tpu.memory_space<vmem>>
      %dma_wait3A_1038 = tpu.memref_squeeze %dma_wait3A_1037 : memref<1x50xi32, #tpu.memory_space<vmem>> -> memref<50xi32, #tpu.memory_space<vmem>>
      %dma_wait3A_1039 = arith.constant 0 : i32
      %dma_wait3A_1040 = arith.constant 0 : i32
      %dma_wait3A_1041 = tpu.memref_slice %arg3[%dma_wait3A_1039, %dma_wait3A_1040] : memref<100000x128xf32, #tpu.memory_space<hbm>> -> memref<100000x128xf32, #tpu.memory_space<hbm>>
      tpu.wait_indirect_dma semaphore(%arg16 : memref<!tpu.dma_semaphore, #tpu.memory_space<semaphore_mem>>) src(%dma_wait3A_1041 : memref<100000x128xf32, #tpu.memory_space<hbm>>) dst(%dma_wait3A_1035 : memref<50x128xf32, #tpu.memory_space<vmem>>)
      %mul3A_1042 = arith.constant 2 : i32
      %mul3A_1043 = arith.muli %add3A_1026, %mul3A_1042 : i32
      %add3A_1044 = arith.constant 1 : i32
      %add3A_1045 = arith.addi %mul3A_1043, %add3A_1044 : i32
      %dma_wait3A_1046 = arith.constant 1 : i32
      %dma_wait3A_1047 = arith.constant 0 : i32
      %dma_wait3A_1048 = arith.constant 0 : i32
      %dma_wait3A_1049 = tpu.memref_slice %arg8[%dma_wait3A_1046, %dma_wait3A_1047, %dma_wait3A_1048] : memref<2x50x128xf32, #tpu.memory_space<vmem>> -> memref<1x50x128xf32, #tpu.memory_space<vmem>>
      %dma_wait3A_1050 = tpu.memref_squeeze %dma_wait3A_1049 : memref<1x50x128xf32, #tpu.memory_space<vmem>> -> memref<50x128xf32, #tpu.memory_space<vmem>>
      %dma_wait3A_1051 = arith.constant 0 : i32
      %dma_wait3A_1052 = tpu.memref_slice %arg5[%add3A_1045, %dma_wait3A_1051] : memref<128x50xi32, #tpu.memory_space<vmem>> -> memref<1x50xi32, #tpu.memory_space<vmem>>
      %dma_wait3A_1053 = tpu.memref_squeeze %dma_wait3A_1052 : memref<1x50xi32, #tpu.memory_space<vmem>> -> memref<50xi32, #tpu.memory_space<vmem>>
      %dma_wait3A_1054 = arith.constant 0 : i32
      %dma_wait3A_1055 = arith.constant 0 : i32
      %dma_wait3A_1056 = tpu.memref_slice %arg3[%dma_wait3A_1054, %dma_wait3A_1055] : memref<100000x128xf32, #tpu.memory_space<hbm>> -> memref<100000x128xf32, #tpu.memory_space<hbm>>
      tpu.wait_indirect_dma semaphore(%arg16 : memref<!tpu.dma_semaphore, #tpu.memory_space<semaphore_mem>>) src(%dma_wait3A_1056 : memref<100000x128xf32, #tpu.memory_space<hbm>>) dst(%dma_wait3A_1050 : memref<50x128xf32, #tpu.memory_space<vmem>>)
      %mul3A_1057 = arith.constant 2 : i32
      %mul3A_1058 = arith.muli %add3A_1026, %mul3A_1057 : i32
      %add3A_1059 = arith.addi %mul3A_2, %mul3A_1058 : i32
      %dma_start3A_1060 = arith.constant 0 : i32
      %dma_start3A_1061 = arith.constant 0 : i32
      %dma_start3A_1062 = tpu.memref_slice %arg4[%add3A_1059, %dma_start3A_1060, %dma_start3A_1061] : memref<4096x50x128xf32, #tpu.memory_space<hbm>> -> memref<2x50x128xf32, #tpu.memory_space<hbm>>
      %dma_start3A_1063 = arith.constant 0 : i32
      %dma_start3A_1064 = arith.constant 0 : i32
      %dma_start3A_1065 = tpu.memref_slice %arg4[%add3A_1059, %dma_start3A_1063, %dma_start3A_1064] : memref<4096x50x128xf32, #tpu.memory_space<hbm>> -> memref<2x50x128xf32, #tpu.memory_space<hbm>>
      tpu.enqueue_dma source(%arg8 : memref<2x50x128xf32, #tpu.memory_space<vmem>>) target(%dma_start3A_1065 : memref<2x50x128xf32, #tpu.memory_space<hbm>>) target_semaphore(%arg24 : memref<!tpu.dma_semaphore, #tpu.memory_space<semaphore_mem>>)
      %sub3A_1066 = arith.constant 4 : i32
      %sub3A_1067 = arith.subi %add3A_1026, %sub3A_1066 : i32
      %mul3A_1068 = arith.constant 2 : i32
      %mul3A_1069 = arith.muli %sub3A_1067, %mul3A_1068 : i32
      %add3A_1070 = arith.addi %mul3A_2, %mul3A_1069 : i32
      %dma_wait3A_1071 = arith.constant 0 : i32
      %dma_wait3A_1072 = arith.constant 0 : i32
      %dma_wait3A_1073 = tpu.memref_slice %arg4[%add3A_1070, %dma_wait3A_1071, %dma_wait3A_1072] : memref<4096x50x128xf32, #tpu.memory_space<hbm>> -> memref<2x50x128xf32, #tpu.memory_space<hbm>>
      %dma_wait3A_1074 = arith.constant 0 : i32
      %dma_wait3A_1075 = arith.constant 0 : i32
      %dma_wait3A_1076 = tpu.memref_slice %arg4[%add3A_1070, %dma_wait3A_1074, %dma_wait3A_1075] : memref<4096x50x128xf32, #tpu.memory_space<hbm>> -> memref<2x50x128xf32, #tpu.memory_space<hbm>>
      tpu.wait_dma2 semaphore(%arg28 : memref<!tpu.dma_semaphore, #tpu.memory_space<semaphore_mem>>) src(%arg12 : memref<2x50x128xf32, #tpu.memory_space<vmem>>) dst(%dma_wait3A_1076 : memref<2x50x128xf32, #tpu.memory_space<hbm>>)
      %add3A_1077 = arith.constant 8 : i32
      %add3A_1078 = arith.addi %sub3A_1067, %add3A_1077 : i32
      %mul3A_1079 = arith.constant 2 : i32
      %mul3A_1080 = arith.muli %add3A_1078, %mul3A_1079 : i32
      %add3A_1081 = arith.constant 0 : i32
      %add3A_1082 = arith.addi %mul3A_1080, %add3A_1081 : i32
      %dma_start3A_1083 = arith.constant 0 : i32
      %dma_start3A_1084 = arith.constant 0 : i32
      %dma_start3A_1085 = arith.constant 0 : i32
      %dma_start3A_1086 = tpu.memref_slice %arg12[%dma_start3A_1083, %dma_start3A_1084, %dma_start3A_1085] : memref<2x50x128xf32, #tpu.memory_space<vmem>> -> memref<1x50x128xf32, #tpu.memory_space<vmem>>
      %dma_start3A_1087 = tpu.memref_squeeze %dma_start3A_1086 : memref<1x50x128xf32, #tpu.memory_space<vmem>> -> memref<50x128xf32, #tpu.memory_space<vmem>>
      %dma_start3A_1088 = arith.constant 0 : i32
      %dma_start3A_1089 = tpu.memref_slice %arg5[%add3A_1082, %dma_start3A_1088] : memref<128x50xi32, #tpu.memory_space<vmem>> -> memref<1x50xi32, #tpu.memory_space<vmem>>
      %dma_start3A_1090 = tpu.memref_squeeze %dma_start3A_1089 : memref<1x50xi32, #tpu.memory_space<vmem>> -> memref<50xi32, #tpu.memory_space<vmem>>
      %dma_start3A_1091 = arith.constant 0 : i32
      %dma_start3A_1092 = arith.constant 0 : i32
      %dma_start3A_1093 = tpu.memref_slice %arg3[%dma_start3A_1091, %dma_start3A_1092] : memref<100000x128xf32, #tpu.memory_space<hbm>> -> memref<100000x128xf32, #tpu.memory_space<hbm>>
      tpu.enqueue_indirect_dma source(%dma_start3A_1093 : memref<100000x128xf32, #tpu.memory_space<hbm>>) target(%dma_start3A_1087 : memref<50x128xf32, #tpu.memory_space<vmem>>) offsets(%dma_start3A_1090 : memref<50xi32, #tpu.memory_space<vmem>>) semaphore(%arg20 : memref<!tpu.dma_semaphore, #tpu.memory_space<semaphore_mem>>)
      %mul3A_1094 = arith.constant 2 : i32
      %mul3A_1095 = arith.muli %add3A_1078, %mul3A_1094 : i32
      %add3A_1096 = arith.constant 1 : i32
      %add3A_1097 = arith.addi %mul3A_1095, %add3A_1096 : i32
      %dma_start3A_1098 = arith.constant 1 : i32
      %dma_start3A_1099 = arith.constant 0 : i32
      %dma_start3A_1100 = arith.constant 0 : i32
      %dma_start3A_1101 = tpu.memref_slice %arg12[%dma_start3A_1098, %dma_start3A_1099, %dma_start3A_1100] : memref<2x50x128xf32, #tpu.memory_space<vmem>> -> memref<1x50x128xf32, #tpu.memory_space<vmem>>
      %dma_start3A_1102 = tpu.memref_squeeze %dma_start3A_1101 : memref<1x50x128xf32, #tpu.memory_space<vmem>> -> memref<50x128xf32, #tpu.memory_space<vmem>>
      %dma_start3A_1103 = arith.constant 0 : i32
      %dma_start3A_1104 = tpu.memref_slice %arg5[%add3A_1097, %dma_start3A_1103] : memref<128x50xi32, #tpu.memory_space<vmem>> -> memref<1x50xi32, #tpu.memory_space<vmem>>
      %dma_start3A_1105 = tpu.memref_squeeze %dma_start3A_1104 : memref<1x50xi32, #tpu.memory_space<vmem>> -> memref<50xi32, #tpu.memory_space<vmem>>
      %dma_start3A_1106 = arith.constant 0 : i32
      %dma_start3A_1107 = arith.constant 0 : i32
      %dma_start3A_1108 = tpu.memref_slice %arg3[%dma_start3A_1106, %dma_start3A_1107] : memref<100000x128xf32, #tpu.memory_space<hbm>> -> memref<100000x128xf32, #tpu.memory_space<hbm>>
      tpu.enqueue_indirect_dma source(%dma_start3A_1108 : memref<100000x128xf32, #tpu.memory_space<hbm>>) target(%dma_start3A_1102 : memref<50x128xf32, #tpu.memory_space<vmem>>) offsets(%dma_start3A_1105 : memref<50xi32, #tpu.memory_space<vmem>>) semaphore(%arg20 : memref<!tpu.dma_semaphore, #tpu.memory_space<semaphore_mem>>)
      %add3A_1109 = arith.constant 7 : i32
      %add3A_1110 = arith.addi %add3A_521, %add3A_1109 : i32
      %mul3A_1111 = arith.constant 2 : i32
      %mul3A_1112 = arith.muli %add3A_1110, %mul3A_1111 : i32
      %add3A_1113 = arith.constant 0 : i32
      %add3A_1114 = arith.addi %mul3A_1112, %add3A_1113 : i32
      %dma_wait3A_1115 = arith.constant 0 : i32
      %dma_wait3A_1116 = arith.constant 0 : i32
      %dma_wait3A_1117 = arith.constant 0 : i32
      %dma_wait3A_1118 = tpu.memref_slice %arg9[%dma_wait3A_1115, %dma_wait3A_1116, %dma_wait3A_1117] : memref<2x50x128xf32, #tpu.memory_space<vmem>> -> memref<1x50x128xf32, #tpu.memory_space<vmem>>
      %dma_wait3A_1119 = tpu.memref_squeeze %dma_wait3A_1118 : memref<1x50x128xf32, #tpu.memory_space<vmem>> -> memref<50x128xf32, #tpu.memory_space<vmem>>
      %dma_wait3A_1120 = arith.constant 0 : i32
      %dma_wait3A_1121 = tpu.memref_slice %arg5[%add3A_1114, %dma_wait3A_1120] : memref<128x50xi32, #tpu.memory_space<vmem>> -> memref<1x50xi32, #tpu.memory_space<vmem>>
      %dma_wait3A_1122 = tpu.memref_squeeze %dma_wait3A_1121 : memref<1x50xi32, #tpu.memory_space<vmem>> -> memref<50xi32, #tpu.memory_space<vmem>>
      %dma_wait3A_1123 = arith.constant 0 : i32
      %dma_wait3A_1124 = arith.constant 0 : i32
      %dma_wait3A_1125 = tpu.memref_slice %arg3[%dma_wait3A_1123, %dma_wait3A_1124] : memref<100000x128xf32, #tpu.memory_space<hbm>> -> memref<100000x128xf32, #tpu.memory_space<hbm>>
      tpu.wait_indirect_dma semaphore(%arg17 : memref<!tpu.dma_semaphore, #tpu.memory_space<semaphore_mem>>) src(%dma_wait3A_1125 : memref<100000x128xf32, #tpu.memory_space<hbm>>) dst(%dma_wait3A_1119 : memref<50x128xf32, #tpu.memory_space<vmem>>)
      %mul3A_1126 = arith.constant 2 : i32
      %mul3A_1127 = arith.muli %add3A_1110, %mul3A_1126 : i32
      %add3A_1128 = arith.constant 1 : i32
      %add3A_1129 = arith.addi %mul3A_1127, %add3A_1128 : i32
      %dma_wait3A_1130 = arith.constant 1 : i32
      %dma_wait3A_1131 = arith.constant 0 : i32
      %dma_wait3A_1132 = arith.constant 0 : i32
      %dma_wait3A_1133 = tpu.memref_slice %arg9[%dma_wait3A_1130, %dma_wait3A_1131, %dma_wait3A_1132] : memref<2x50x128xf32, #tpu.memory_space<vmem>> -> memref<1x50x128xf32, #tpu.memory_space<vmem>>
      %dma_wait3A_1134 = tpu.memref_squeeze %dma_wait3A_1133 : memref<1x50x128xf32, #tpu.memory_space<vmem>> -> memref<50x128xf32, #tpu.memory_space<vmem>>
      %dma_wait3A_1135 = arith.constant 0 : i32
      %dma_wait3A_1136 = tpu.memref_slice %arg5[%add3A_1129, %dma_wait3A_1135] : memref<128x50xi32, #tpu.memory_space<vmem>> -> memref<1x50xi32, #tpu.memory_space<vmem>>
      %dma_wait3A_1137 = tpu.memref_squeeze %dma_wait3A_1136 : memref<1x50xi32, #tpu.memory_space<vmem>> -> memref<50xi32, #tpu.memory_space<vmem>>
      %dma_wait3A_1138 = arith.constant 0 : i32
      %dma_wait3A_1139 = arith.constant 0 : i32
      %dma_wait3A_1140 = tpu.memref_slice %arg3[%dma_wait3A_1138, %dma_wait3A_1139] : memref<100000x128xf32, #tpu.memory_space<hbm>> -> memref<100000x128xf32, #tpu.memory_space<hbm>>
      tpu.wait_indirect_dma semaphore(%arg17 : memref<!tpu.dma_semaphore, #tpu.memory_space<semaphore_mem>>) src(%dma_wait3A_1140 : memref<100000x128xf32, #tpu.memory_space<hbm>>) dst(%dma_wait3A_1134 : memref<50x128xf32, #tpu.memory_space<vmem>>)
      %mul3A_1141 = arith.constant 2 : i32
      %mul3A_1142 = arith.muli %add3A_1110, %mul3A_1141 : i32
      %add3A_1143 = arith.addi %mul3A_2, %mul3A_1142 : i32
      %dma_start3A_1144 = arith.constant 0 : i32
      %dma_start3A_1145 = arith.constant 0 : i32
      %dma_start3A_1146 = tpu.memref_slice %arg4[%add3A_1143, %dma_start3A_1144, %dma_start3A_1145] : memref<4096x50x128xf32, #tpu.memory_space<hbm>> -> memref<2x50x128xf32, #tpu.memory_space<hbm>>
      %dma_start3A_1147 = arith.constant 0 : i32
      %dma_start3A_1148 = arith.constant 0 : i32
      %dma_start3A_1149 = tpu.memref_slice %arg4[%add3A_1143, %dma_start3A_1147, %dma_start3A_1148] : memref<4096x50x128xf32, #tpu.memory_space<hbm>> -> memref<2x50x128xf32, #tpu.memory_space<hbm>>
      tpu.enqueue_dma source(%arg9 : memref<2x50x128xf32, #tpu.memory_space<vmem>>) target(%dma_start3A_1149 : memref<2x50x128xf32, #tpu.memory_space<hbm>>) target_semaphore(%arg25 : memref<!tpu.dma_semaphore, #tpu.memory_space<semaphore_mem>>)
      %sub3A_1150 = arith.constant 4 : i32
      %sub3A_1151 = arith.subi %add3A_1110, %sub3A_1150 : i32
      %mul3A_1152 = arith.constant 2 : i32
      %mul3A_1153 = arith.muli %sub3A_1151, %mul3A_1152 : i32
      %add3A_1154 = arith.addi %mul3A_2, %mul3A_1153 : i32
      %dma_wait3A_1155 = arith.constant 0 : i32
      %dma_wait3A_1156 = arith.constant 0 : i32
      %dma_wait3A_1157 = tpu.memref_slice %arg4[%add3A_1154, %dma_wait3A_1155, %dma_wait3A_1156] : memref<4096x50x128xf32, #tpu.memory_space<hbm>> -> memref<2x50x128xf32, #tpu.memory_space<hbm>>
      %dma_wait3A_1158 = arith.constant 0 : i32
      %dma_wait3A_1159 = arith.constant 0 : i32
      %dma_wait3A_1160 = tpu.memref_slice %arg4[%add3A_1154, %dma_wait3A_1158, %dma_wait3A_1159] : memref<4096x50x128xf32, #tpu.memory_space<hbm>> -> memref<2x50x128xf32, #tpu.memory_space<hbm>>
      tpu.wait_dma2 semaphore(%arg29 : memref<!tpu.dma_semaphore, #tpu.memory_space<semaphore_mem>>) src(%arg13 : memref<2x50x128xf32, #tpu.memory_space<vmem>>) dst(%dma_wait3A_1160 : memref<2x50x128xf32, #tpu.memory_space<hbm>>)
      %add3A_1161 = arith.constant 8 : i32
      %add3A_1162 = arith.addi %sub3A_1151, %add3A_1161 : i32
      %mul3A_1163 = arith.constant 2 : i32
      %mul3A_1164 = arith.muli %add3A_1162, %mul3A_1163 : i32
      %add3A_1165 = arith.constant 0 : i32
      %add3A_1166 = arith.addi %mul3A_1164, %add3A_1165 : i32
      %dma_start3A_1167 = arith.constant 0 : i32
      %dma_start3A_1168 = arith.constant 0 : i32
      %dma_start3A_1169 = arith.constant 0 : i32
      %dma_start3A_1170 = tpu.memref_slice %arg13[%dma_start3A_1167, %dma_start3A_1168, %dma_start3A_1169] : memref<2x50x128xf32, #tpu.memory_space<vmem>> -> memref<1x50x128xf32, #tpu.memory_space<vmem>>
      %dma_start3A_1171 = tpu.memref_squeeze %dma_start3A_1170 : memref<1x50x128xf32, #tpu.memory_space<vmem>> -> memref<50x128xf32, #tpu.memory_space<vmem>>
      %dma_start3A_1172 = arith.constant 0 : i32
      %dma_start3A_1173 = tpu.memref_slice %arg5[%add3A_1166, %dma_start3A_1172] : memref<128x50xi32, #tpu.memory_space<vmem>> -> memref<1x50xi32, #tpu.memory_space<vmem>>
      %dma_start3A_1174 = tpu.memref_squeeze %dma_start3A_1173 : memref<1x50xi32, #tpu.memory_space<vmem>> -> memref<50xi32, #tpu.memory_space<vmem>>
      %dma_start3A_1175 = arith.constant 0 : i32
      %dma_start3A_1176 = arith.constant 0 : i32
      %dma_start3A_1177 = tpu.memref_slice %arg3[%dma_start3A_1175, %dma_start3A_1176] : memref<100000x128xf32, #tpu.memory_space<hbm>> -> memref<100000x128xf32, #tpu.memory_space<hbm>>
      tpu.enqueue_indirect_dma source(%dma_start3A_1177 : memref<100000x128xf32, #tpu.memory_space<hbm>>) target(%dma_start3A_1171 : memref<50x128xf32, #tpu.memory_space<vmem>>) offsets(%dma_start3A_1174 : memref<50xi32, #tpu.memory_space<vmem>>) semaphore(%arg21 : memref<!tpu.dma_semaphore, #tpu.memory_space<semaphore_mem>>)
      %mul3A_1178 = arith.constant 2 : i32
      %mul3A_1179 = arith.muli %add3A_1162, %mul3A_1178 : i32
      %add3A_1180 = arith.constant 1 : i32
      %add3A_1181 = arith.addi %mul3A_1179, %add3A_1180 : i32
      %dma_start3A_1182 = arith.constant 1 : i32
      %dma_start3A_1183 = arith.constant 0 : i32
      %dma_start3A_1184 = arith.constant 0 : i32
      %dma_start3A_1185 = tpu.memref_slice %arg13[%dma_start3A_1182, %dma_start3A_1183, %dma_start3A_1184] : memref<2x50x128xf32, #tpu.memory_space<vmem>> -> memref<1x50x128xf32, #tpu.memory_space<vmem>>
      %dma_start3A_1186 = tpu.memref_squeeze %dma_start3A_1185 : memref<1x50x128xf32, #tpu.memory_space<vmem>> -> memref<50x128xf32, #tpu.memory_space<vmem>>
      %dma_start3A_1187 = arith.constant 0 : i32
      %dma_start3A_1188 = tpu.memref_slice %arg5[%add3A_1181, %dma_start3A_1187] : memref<128x50xi32, #tpu.memory_space<vmem>> -> memref<1x50xi32, #tpu.memory_space<vmem>>
      %dma_start3A_1189 = tpu.memref_squeeze %dma_start3A_1188 : memref<1x50xi32, #tpu.memory_space<vmem>> -> memref<50xi32, #tpu.memory_space<vmem>>
      %dma_start3A_1190 = arith.constant 0 : i32
      %dma_start3A_1191 = arith.constant 0 : i32
      %dma_start3A_1192 = tpu.memref_slice %arg3[%dma_start3A_1190, %dma_start3A_1191] : memref<100000x128xf32, #tpu.memory_space<hbm>> -> memref<100000x128xf32, #tpu.memory_space<hbm>>
      tpu.enqueue_indirect_dma source(%dma_start3A_1192 : memref<100000x128xf32, #tpu.memory_space<hbm>>) target(%dma_start3A_1186 : memref<50x128xf32, #tpu.memory_space<vmem>>) offsets(%dma_start3A_1189 : memref<50xi32, #tpu.memory_space<vmem>>) semaphore(%arg21 : memref<!tpu.dma_semaphore, #tpu.memory_space<semaphore_mem>>)
    }
    %scan3A_324 = arith.constant 7 : i32
    %dma_wait3A_325 = arith.constant 120 : i32
    %dma_wait3A_326 = arith.constant 0 : i32
    %dma_wait3A_327 = arith.constant 0 : i32
    %dma_wait3A_328 = arith.constant 0 : i32
    %dma_wait3A_329 = tpu.memref_slice %arg10[%dma_wait3A_326, %dma_wait3A_327, %dma_wait3A_328] : memref<2x50x128xf32, #tpu.memory_space<vmem>> -> memref<1x50x128xf32, #tpu.memory_space<vmem>>
    %dma_wait3A_330 = tpu.memref_squeeze %dma_wait3A_329 : memref<1x50x128xf32, #tpu.memory_space<vmem>> -> memref<50x128xf32, #tpu.memory_space<vmem>>
    %dma_wait3A_331 = arith.constant 0 : i32
    %dma_wait3A_332 = tpu.memref_slice %arg5[%dma_wait3A_325, %dma_wait3A_331] : memref<128x50xi32, #tpu.memory_space<vmem>> -> memref<1x50xi32, #tpu.memory_space<vmem>>
    %dma_wait3A_333 = tpu.memref_squeeze %dma_wait3A_332 : memref<1x50xi32, #tpu.memory_space<vmem>> -> memref<50xi32, #tpu.memory_space<vmem>>
    %dma_wait3A_334 = arith.constant 0 : i32
    %dma_wait3A_335 = arith.constant 0 : i32
    %dma_wait3A_336 = tpu.memref_slice %arg3[%dma_wait3A_334, %dma_wait3A_335] : memref<100000x128xf32, #tpu.memory_space<hbm>> -> memref<100000x128xf32, #tpu.memory_space<hbm>>
    tpu.wait_indirect_dma semaphore(%arg18 : memref<!tpu.dma_semaphore, #tpu.memory_space<semaphore_mem>>) src(%dma_wait3A_336 : memref<100000x128xf32, #tpu.memory_space<hbm>>) dst(%dma_wait3A_330 : memref<50x128xf32, #tpu.memory_space<vmem>>)
    %dma_wait3A_337 = arith.constant 121 : i32
    %dma_wait3A_338 = arith.constant 1 : i32
    %dma_wait3A_339 = arith.constant 0 : i32
    %dma_wait3A_340 = arith.constant 0 : i32
    %dma_wait3A_341 = tpu.memref_slice %arg10[%dma_wait3A_338, %dma_wait3A_339, %dma_wait3A_340] : memref<2x50x128xf32, #tpu.memory_space<vmem>> -> memref<1x50x128xf32, #tpu.memory_space<vmem>>
    %dma_wait3A_342 = tpu.memref_squeeze %dma_wait3A_341 : memref<1x50x128xf32, #tpu.memory_space<vmem>> -> memref<50x128xf32, #tpu.memory_space<vmem>>
    %dma_wait3A_343 = arith.constant 0 : i32
    %dma_wait3A_344 = tpu.memref_slice %arg5[%dma_wait3A_337, %dma_wait3A_343] : memref<128x50xi32, #tpu.memory_space<vmem>> -> memref<1x50xi32, #tpu.memory_space<vmem>>
    %dma_wait3A_345 = tpu.memref_squeeze %dma_wait3A_344 : memref<1x50xi32, #tpu.memory_space<vmem>> -> memref<50xi32, #tpu.memory_space<vmem>>
    %dma_wait3A_346 = arith.constant 0 : i32
    %dma_wait3A_347 = arith.constant 0 : i32
    %dma_wait3A_348 = tpu.memref_slice %arg3[%dma_wait3A_346, %dma_wait3A_347] : memref<100000x128xf32, #tpu.memory_space<hbm>> -> memref<100000x128xf32, #tpu.memory_space<hbm>>
    tpu.wait_indirect_dma semaphore(%arg18 : memref<!tpu.dma_semaphore, #tpu.memory_space<semaphore_mem>>) src(%dma_wait3A_348 : memref<100000x128xf32, #tpu.memory_space<hbm>>) dst(%dma_wait3A_342 : memref<50x128xf32, #tpu.memory_space<vmem>>)
    %add3A_349 = arith.constant 120 : i32
    %add3A_350 = arith.addi %mul3A_2, %add3A_349 : i32
    %dma_start3A_351 = arith.constant 0 : i32
    %dma_start3A_352 = arith.constant 0 : i32
    %dma_start3A_353 = tpu.memref_slice %arg4[%add3A_350, %dma_start3A_351, %dma_start3A_352] : memref<4096x50x128xf32, #tpu.memory_space<hbm>> -> memref<2x50x128xf32, #tpu.memory_space<hbm>>
    %dma_start3A_354 = arith.constant 0 : i32
    %dma_start3A_355 = arith.constant 0 : i32
    %dma_start3A_356 = tpu.memref_slice %arg4[%add3A_350, %dma_start3A_354, %dma_start3A_355] : memref<4096x50x128xf32, #tpu.memory_space<hbm>> -> memref<2x50x128xf32, #tpu.memory_space<hbm>>
    tpu.enqueue_dma source(%arg10 : memref<2x50x128xf32, #tpu.memory_space<vmem>>) target(%dma_start3A_356 : memref<2x50x128xf32, #tpu.memory_space<hbm>>) target_semaphore(%arg26 : memref<!tpu.dma_semaphore, #tpu.memory_space<semaphore_mem>>)
    %add3A_357 = arith.constant 112 : i32
    %add3A_358 = arith.addi %mul3A_2, %add3A_357 : i32
    %dma_wait3A_359 = arith.constant 0 : i32
    %dma_wait3A_360 = arith.constant 0 : i32
    %dma_wait3A_361 = tpu.memref_slice %arg4[%add3A_358, %dma_wait3A_359, %dma_wait3A_360] : memref<4096x50x128xf32, #tpu.memory_space<hbm>> -> memref<2x50x128xf32, #tpu.memory_space<hbm>>
    %dma_wait3A_362 = arith.constant 0 : i32
    %dma_wait3A_363 = arith.constant 0 : i32
    %dma_wait3A_364 = tpu.memref_slice %arg4[%add3A_358, %dma_wait3A_362, %dma_wait3A_363] : memref<4096x50x128xf32, #tpu.memory_space<hbm>> -> memref<2x50x128xf32, #tpu.memory_space<hbm>>
    tpu.wait_dma2 semaphore(%arg22 : memref<!tpu.dma_semaphore, #tpu.memory_space<semaphore_mem>>) src(%arg6 : memref<2x50x128xf32, #tpu.memory_space<vmem>>) dst(%dma_wait3A_364 : memref<2x50x128xf32, #tpu.memory_space<hbm>>)
    %dma_wait3A_365 = arith.constant 122 : i32
    %dma_wait3A_366 = arith.constant 0 : i32
    %dma_wait3A_367 = arith.constant 0 : i32
    %dma_wait3A_368 = arith.constant 0 : i32
    %dma_wait3A_369 = tpu.memref_slice %arg11[%dma_wait3A_366, %dma_wait3A_367, %dma_wait3A_368] : memref<2x50x128xf32, #tpu.memory_space<vmem>> -> memref<1x50x128xf32, #tpu.memory_space<vmem>>
    %dma_wait3A_370 = tpu.memref_squeeze %dma_wait3A_369 : memref<1x50x128xf32, #tpu.memory_space<vmem>> -> memref<50x128xf32, #tpu.memory_space<vmem>>
    %dma_wait3A_371 = arith.constant 0 : i32
    %dma_wait3A_372 = tpu.memref_slice %arg5[%dma_wait3A_365, %dma_wait3A_371] : memref<128x50xi32, #tpu.memory_space<vmem>> -> memref<1x50xi32, #tpu.memory_space<vmem>>
    %dma_wait3A_373 = tpu.memref_squeeze %dma_wait3A_372 : memref<1x50xi32, #tpu.memory_space<vmem>> -> memref<50xi32, #tpu.memory_space<vmem>>
    %dma_wait3A_374 = arith.constant 0 : i32
    %dma_wait3A_375 = arith.constant 0 : i32
    %dma_wait3A_376 = tpu.memref_slice %arg3[%dma_wait3A_374, %dma_wait3A_375] : memref<100000x128xf32, #tpu.memory_space<hbm>> -> memref<100000x128xf32, #tpu.memory_space<hbm>>
    tpu.wait_indirect_dma semaphore(%arg19 : memref<!tpu.dma_semaphore, #tpu.memory_space<semaphore_mem>>) src(%dma_wait3A_376 : memref<100000x128xf32, #tpu.memory_space<hbm>>) dst(%dma_wait3A_370 : memref<50x128xf32, #tpu.memory_space<vmem>>)
    %dma_wait3A_377 = arith.constant 123 : i32
    %dma_wait3A_378 = arith.constant 1 : i32
    %dma_wait3A_379 = arith.constant 0 : i32
    %dma_wait3A_380 = arith.constant 0 : i32
    %dma_wait3A_381 = tpu.memref_slice %arg11[%dma_wait3A_378, %dma_wait3A_379, %dma_wait3A_380] : memref<2x50x128xf32, #tpu.memory_space<vmem>> -> memref<1x50x128xf32, #tpu.memory_space<vmem>>
    %dma_wait3A_382 = tpu.memref_squeeze %dma_wait3A_381 : memref<1x50x128xf32, #tpu.memory_space<vmem>> -> memref<50x128xf32, #tpu.memory_space<vmem>>
    %dma_wait3A_383 = arith.constant 0 : i32
    %dma_wait3A_384 = tpu.memref_slice %arg5[%dma_wait3A_377, %dma_wait3A_383] : memref<128x50xi32, #tpu.memory_space<vmem>> -> memref<1x50xi32, #tpu.memory_space<vmem>>
    %dma_wait3A_385 = tpu.memref_squeeze %dma_wait3A_384 : memref<1x50xi32, #tpu.memory_space<vmem>> -> memref<50xi32, #tpu.memory_space<vmem>>
    %dma_wait3A_386 = arith.constant 0 : i32
    %dma_wait3A_387 = arith.constant 0 : i32
    %dma_wait3A_388 = tpu.memref_slice %arg3[%dma_wait3A_386, %dma_wait3A_387] : memref<100000x128xf32, #tpu.memory_space<hbm>> -> memref<100000x128xf32, #tpu.memory_space<hbm>>
    tpu.wait_indirect_dma semaphore(%arg19 : memref<!tpu.dma_semaphore, #tpu.memory_space<semaphore_mem>>) src(%dma_wait3A_388 : memref<100000x128xf32, #tpu.memory_space<hbm>>) dst(%dma_wait3A_382 : memref<50x128xf32, #tpu.memory_space<vmem>>)
    %add3A_389 = arith.constant 122 : i32
    %add3A_390 = arith.addi %mul3A_2, %add3A_389 : i32
    %dma_start3A_391 = arith.constant 0 : i32
    %dma_start3A_392 = arith.constant 0 : i32
    %dma_start3A_393 = tpu.memref_slice %arg4[%add3A_390, %dma_start3A_391, %dma_start3A_392] : memref<4096x50x128xf32, #tpu.memory_space<hbm>> -> memref<2x50x128xf32, #tpu.memory_space<hbm>>
    %dma_start3A_394 = arith.constant 0 : i32
    %dma_start3A_395 = arith.constant 0 : i32
    %dma_start3A_396 = tpu.memref_slice %arg4[%add3A_390, %dma_start3A_394, %dma_start3A_395] : memref<4096x50x128xf32, #tpu.memory_space<hbm>> -> memref<2x50x128xf32, #tpu.memory_space<hbm>>
    tpu.enqueue_dma source(%arg11 : memref<2x50x128xf32, #tpu.memory_space<vmem>>) target(%dma_start3A_396 : memref<2x50x128xf32, #tpu.memory_space<hbm>>) target_semaphore(%arg27 : memref<!tpu.dma_semaphore, #tpu.memory_space<semaphore_mem>>)
    %add3A_397 = arith.constant 114 : i32
    %add3A_398 = arith.addi %mul3A_2, %add3A_397 : i32
    %dma_wait3A_399 = arith.constant 0 : i32
    %dma_wait3A_400 = arith.constant 0 : i32
    %dma_wait3A_401 = tpu.memref_slice %arg4[%add3A_398, %dma_wait3A_399, %dma_wait3A_400] : memref<4096x50x128xf32, #tpu.memory_space<hbm>> -> memref<2x50x128xf32, #tpu.memory_space<hbm>>
    %dma_wait3A_402 = arith.constant 0 : i32
    %dma_wait3A_403 = arith.constant 0 : i32
    %dma_wait3A_404 = tpu.memref_slice %arg4[%add3A_398, %dma_wait3A_402, %dma_wait3A_403] : memref<4096x50x128xf32, #tpu.memory_space<hbm>> -> memref<2x50x128xf32, #tpu.memory_space<hbm>>
    tpu.wait_dma2 semaphore(%arg23 : memref<!tpu.dma_semaphore, #tpu.memory_space<semaphore_mem>>) src(%arg7 : memref<2x50x128xf32, #tpu.memory_space<vmem>>) dst(%dma_wait3A_404 : memref<2x50x128xf32, #tpu.memory_space<hbm>>)
    %dma_wait3A_405 = arith.constant 124 : i32
    %dma_wait3A_406 = arith.constant 0 : i32
    %dma_wait3A_407 = arith.constant 0 : i32
    %dma_wait3A_408 = arith.constant 0 : i32
    %dma_wait3A_409 = tpu.memref_slice %arg12[%dma_wait3A_406, %dma_wait3A_407, %dma_wait3A_408] : memref<2x50x128xf32, #tpu.memory_space<vmem>> -> memref<1x50x128xf32, #tpu.memory_space<vmem>>
    %dma_wait3A_410 = tpu.memref_squeeze %dma_wait3A_409 : memref<1x50x128xf32, #tpu.memory_space<vmem>> -> memref<50x128xf32, #tpu.memory_space<vmem>>
    %dma_wait3A_411 = arith.constant 0 : i32
    %dma_wait3A_412 = tpu.memref_slice %arg5[%dma_wait3A_405, %dma_wait3A_411] : memref<128x50xi32, #tpu.memory_space<vmem>> -> memref<1x50xi32, #tpu.memory_space<vmem>>
    %dma_wait3A_413 = tpu.memref_squeeze %dma_wait3A_412 : memref<1x50xi32, #tpu.memory_space<vmem>> -> memref<50xi32, #tpu.memory_space<vmem>>
    %dma_wait3A_414 = arith.constant 0 : i32
    %dma_wait3A_415 = arith.constant 0 : i32
    %dma_wait3A_416 = tpu.memref_slice %arg3[%dma_wait3A_414, %dma_wait3A_415] : memref<100000x128xf32, #tpu.memory_space<hbm>> -> memref<100000x128xf32, #tpu.memory_space<hbm>>
    tpu.wait_indirect_dma semaphore(%arg20 : memref<!tpu.dma_semaphore, #tpu.memory_space<semaphore_mem>>) src(%dma_wait3A_416 : memref<100000x128xf32, #tpu.memory_space<hbm>>) dst(%dma_wait3A_410 : memref<50x128xf32, #tpu.memory_space<vmem>>)
    %dma_wait3A_417 = arith.constant 125 : i32
    %dma_wait3A_418 = arith.constant 1 : i32
    %dma_wait3A_419 = arith.constant 0 : i32
    %dma_wait3A_420 = arith.constant 0 : i32
    %dma_wait3A_421 = tpu.memref_slice %arg12[%dma_wait3A_418, %dma_wait3A_419, %dma_wait3A_420] : memref<2x50x128xf32, #tpu.memory_space<vmem>> -> memref<1x50x128xf32, #tpu.memory_space<vmem>>
    %dma_wait3A_422 = tpu.memref_squeeze %dma_wait3A_421 : memref<1x50x128xf32, #tpu.memory_space<vmem>> -> memref<50x128xf32, #tpu.memory_space<vmem>>
    %dma_wait3A_423 = arith.constant 0 : i32
    %dma_wait3A_424 = tpu.memref_slice %arg5[%dma_wait3A_417, %dma_wait3A_423] : memref<128x50xi32, #tpu.memory_space<vmem>> -> memref<1x50xi32, #tpu.memory_space<vmem>>
    %dma_wait3A_425 = tpu.memref_squeeze %dma_wait3A_424 : memref<1x50xi32, #tpu.memory_space<vmem>> -> memref<50xi32, #tpu.memory_space<vmem>>
    %dma_wait3A_426 = arith.constant 0 : i32
    %dma_wait3A_427 = arith.constant 0 : i32
    %dma_wait3A_428 = tpu.memref_slice %arg3[%dma_wait3A_426, %dma_wait3A_427] : memref<100000x128xf32, #tpu.memory_space<hbm>> -> memref<100000x128xf32, #tpu.memory_space<hbm>>
    tpu.wait_indirect_dma semaphore(%arg20 : memref<!tpu.dma_semaphore, #tpu.memory_space<semaphore_mem>>) src(%dma_wait3A_428 : memref<100000x128xf32, #tpu.memory_space<hbm>>) dst(%dma_wait3A_422 : memref<50x128xf32, #tpu.memory_space<vmem>>)
    %add3A_429 = arith.constant 124 : i32
    %add3A_430 = arith.addi %mul3A_2, %add3A_429 : i32
    %dma_start3A_431 = arith.constant 0 : i32
    %dma_start3A_432 = arith.constant 0 : i32
    %dma_start3A_433 = tpu.memref_slice %arg4[%add3A_430, %dma_start3A_431, %dma_start3A_432] : memref<4096x50x128xf32, #tpu.memory_space<hbm>> -> memref<2x50x128xf32, #tpu.memory_space<hbm>>
    %dma_start3A_434 = arith.constant 0 : i32
    %dma_start3A_435 = arith.constant 0 : i32
    %dma_start3A_436 = tpu.memref_slice %arg4[%add3A_430, %dma_start3A_434, %dma_start3A_435] : memref<4096x50x128xf32, #tpu.memory_space<hbm>> -> memref<2x50x128xf32, #tpu.memory_space<hbm>>
    tpu.enqueue_dma source(%arg12 : memref<2x50x128xf32, #tpu.memory_space<vmem>>) target(%dma_start3A_436 : memref<2x50x128xf32, #tpu.memory_space<hbm>>) target_semaphore(%arg28 : memref<!tpu.dma_semaphore, #tpu.memory_space<semaphore_mem>>)
    %add3A_437 = arith.constant 116 : i32
    %add3A_438 = arith.addi %mul3A_2, %add3A_437 : i32
    %dma_wait3A_439 = arith.constant 0 : i32
    %dma_wait3A_440 = arith.constant 0 : i32
    %dma_wait3A_441 = tpu.memref_slice %arg4[%add3A_438, %dma_wait3A_439, %dma_wait3A_440] : memref<4096x50x128xf32, #tpu.memory_space<hbm>> -> memref<2x50x128xf32, #tpu.memory_space<hbm>>
    %dma_wait3A_442 = arith.constant 0 : i32
    %dma_wait3A_443 = arith.constant 0 : i32
    %dma_wait3A_444 = tpu.memref_slice %arg4[%add3A_438, %dma_wait3A_442, %dma_wait3A_443] : memref<4096x50x128xf32, #tpu.memory_space<hbm>> -> memref<2x50x128xf32, #tpu.memory_space<hbm>>
    tpu.wait_dma2 semaphore(%arg24 : memref<!tpu.dma_semaphore, #tpu.memory_space<semaphore_mem>>) src(%arg8 : memref<2x50x128xf32, #tpu.memory_space<vmem>>) dst(%dma_wait3A_444 : memref<2x50x128xf32, #tpu.memory_space<hbm>>)
    %dma_wait3A_445 = arith.constant 126 : i32
    %dma_wait3A_446 = arith.constant 0 : i32
    %dma_wait3A_447 = arith.constant 0 : i32
    %dma_wait3A_448 = arith.constant 0 : i32
    %dma_wait3A_449 = tpu.memref_slice %arg13[%dma_wait3A_446, %dma_wait3A_447, %dma_wait3A_448] : memref<2x50x128xf32, #tpu.memory_space<vmem>> -> memref<1x50x128xf32, #tpu.memory_space<vmem>>
    %dma_wait3A_450 = tpu.memref_squeeze %dma_wait3A_449 : memref<1x50x128xf32, #tpu.memory_space<vmem>> -> memref<50x128xf32, #tpu.memory_space<vmem>>
    %dma_wait3A_451 = arith.constant 0 : i32
    %dma_wait3A_452 = tpu.memref_slice %arg5[%dma_wait3A_445, %dma_wait3A_451] : memref<128x50xi32, #tpu.memory_space<vmem>> -> memref<1x50xi32, #tpu.memory_space<vmem>>
    %dma_wait3A_453 = tpu.memref_squeeze %dma_wait3A_452 : memref<1x50xi32, #tpu.memory_space<vmem>> -> memref<50xi32, #tpu.memory_space<vmem>>
    %dma_wait3A_454 = arith.constant 0 : i32
    %dma_wait3A_455 = arith.constant 0 : i32
    %dma_wait3A_456 = tpu.memref_slice %arg3[%dma_wait3A_454, %dma_wait3A_455] : memref<100000x128xf32, #tpu.memory_space<hbm>> -> memref<100000x128xf32, #tpu.memory_space<hbm>>
    tpu.wait_indirect_dma semaphore(%arg21 : memref<!tpu.dma_semaphore, #tpu.memory_space<semaphore_mem>>) src(%dma_wait3A_456 : memref<100000x128xf32, #tpu.memory_space<hbm>>) dst(%dma_wait3A_450 : memref<50x128xf32, #tpu.memory_space<vmem>>)
    %dma_wait3A_457 = arith.constant 127 : i32
    %dma_wait3A_458 = arith.constant 1 : i32
    %dma_wait3A_459 = arith.constant 0 : i32
    %dma_wait3A_460 = arith.constant 0 : i32
    %dma_wait3A_461 = tpu.memref_slice %arg13[%dma_wait3A_458, %dma_wait3A_459, %dma_wait3A_460] : memref<2x50x128xf32, #tpu.memory_space<vmem>> -> memref<1x50x128xf32, #tpu.memory_space<vmem>>
    %dma_wait3A_462 = tpu.memref_squeeze %dma_wait3A_461 : memref<1x50x128xf32, #tpu.memory_space<vmem>> -> memref<50x128xf32, #tpu.memory_space<vmem>>
    %dma_wait3A_463 = arith.constant 0 : i32
    %dma_wait3A_464 = tpu.memref_slice %arg5[%dma_wait3A_457, %dma_wait3A_463] : memref<128x50xi32, #tpu.memory_space<vmem>> -> memref<1x50xi32, #tpu.memory_space<vmem>>
    %dma_wait3A_465 = tpu.memref_squeeze %dma_wait3A_464 : memref<1x50xi32, #tpu.memory_space<vmem>> -> memref<50xi32, #tpu.memory_space<vmem>>
    %dma_wait3A_466 = arith.constant 0 : i32
    %dma_wait3A_467 = arith.constant 0 : i32
    %dma_wait3A_468 = tpu.memref_slice %arg3[%dma_wait3A_466, %dma_wait3A_467] : memref<100000x128xf32, #tpu.memory_space<hbm>> -> memref<100000x128xf32, #tpu.memory_space<hbm>>
    tpu.wait_indirect_dma semaphore(%arg21 : memref<!tpu.dma_semaphore, #tpu.memory_space<semaphore_mem>>) src(%dma_wait3A_468 : memref<100000x128xf32, #tpu.memory_space<hbm>>) dst(%dma_wait3A_462 : memref<50x128xf32, #tpu.memory_space<vmem>>)
    %add3A_469 = arith.constant 126 : i32
    %add3A_470 = arith.addi %mul3A_2, %add3A_469 : i32
    %dma_start3A_471 = arith.constant 0 : i32
    %dma_start3A_472 = arith.constant 0 : i32
    %dma_start3A_473 = tpu.memref_slice %arg4[%add3A_470, %dma_start3A_471, %dma_start3A_472] : memref<4096x50x128xf32, #tpu.memory_space<hbm>> -> memref<2x50x128xf32, #tpu.memory_space<hbm>>
    %dma_start3A_474 = arith.constant 0 : i32
    %dma_start3A_475 = arith.constant 0 : i32
    %dma_start3A_476 = tpu.memref_slice %arg4[%add3A_470, %dma_start3A_474, %dma_start3A_475] : memref<4096x50x128xf32, #tpu.memory_space<hbm>> -> memref<2x50x128xf32, #tpu.memory_space<hbm>>
    tpu.enqueue_dma source(%arg13 : memref<2x50x128xf32, #tpu.memory_space<vmem>>) target(%dma_start3A_476 : memref<2x50x128xf32, #tpu.memory_space<hbm>>) target_semaphore(%arg29 : memref<!tpu.dma_semaphore, #tpu.memory_space<semaphore_mem>>)
    %add3A_477 = arith.constant 118 : i32
    %add3A_478 = arith.addi %mul3A_2, %add3A_477 : i32
    %dma_wait3A_479 = arith.constant 0 : i32
    %dma_wait3A_480 = arith.constant 0 : i32
    %dma_wait3A_481 = tpu.memref_slice %arg4[%add3A_478, %dma_wait3A_479, %dma_wait3A_480] : memref<4096x50x128xf32, #tpu.memory_space<hbm>> -> memref<2x50x128xf32, #tpu.memory_space<hbm>>
    %dma_wait3A_482 = arith.constant 0 : i32
    %dma_wait3A_483 = arith.constant 0 : i32
    %dma_wait3A_484 = tpu.memref_slice %arg4[%add3A_478, %dma_wait3A_482, %dma_wait3A_483] : memref<4096x50x128xf32, #tpu.memory_space<hbm>> -> memref<2x50x128xf32, #tpu.memory_space<hbm>>
    tpu.wait_dma2 semaphore(%arg25 : memref<!tpu.dma_semaphore, #tpu.memory_space<semaphore_mem>>) src(%arg9 : memref<2x50x128xf32, #tpu.memory_space<vmem>>) dst(%dma_wait3A_484 : memref<2x50x128xf32, #tpu.memory_space<hbm>>)
    %add3A_485 = arith.constant 120 : i32
    %add3A_486 = arith.addi %mul3A_2, %add3A_485 : i32
    %dma_wait3A_487 = arith.constant 0 : i32
    %dma_wait3A_488 = arith.constant 0 : i32
    %dma_wait3A_489 = tpu.memref_slice %arg4[%add3A_486, %dma_wait3A_487, %dma_wait3A_488] : memref<4096x50x128xf32, #tpu.memory_space<hbm>> -> memref<2x50x128xf32, #tpu.memory_space<hbm>>
    %dma_wait3A_490 = arith.constant 0 : i32
    %dma_wait3A_491 = arith.constant 0 : i32
    %dma_wait3A_492 = tpu.memref_slice %arg4[%add3A_486, %dma_wait3A_490, %dma_wait3A_491] : memref<4096x50x128xf32, #tpu.memory_space<hbm>> -> memref<2x50x128xf32, #tpu.memory_space<hbm>>
    tpu.wait_dma2 semaphore(%arg26 : memref<!tpu.dma_semaphore, #tpu.memory_space<semaphore_mem>>) src(%arg10 : memref<2x50x128xf32, #tpu.memory_space<vmem>>) dst(%dma_wait3A_492 : memref<2x50x128xf32, #tpu.memory_space<hbm>>)
    %add3A_493 = arith.constant 122 : i32
    %add3A_494 = arith.addi %mul3A_2, %add3A_493 : i32
    %dma_wait3A_495 = arith.constant 0 : i32
    %dma_wait3A_496 = arith.constant 0 : i32
    %dma_wait3A_497 = tpu.memref_slice %arg4[%add3A_494, %dma_wait3A_495, %dma_wait3A_496] : memref<4096x50x128xf32, #tpu.memory_space<hbm>> -> memref<2x50x128xf32, #tpu.memory_space<hbm>>
    %dma_wait3A_498 = arith.constant 0 : i32
    %dma_wait3A_499 = arith.constant 0 : i32
    %dma_wait3A_500 = tpu.memref_slice %arg4[%add3A_494, %dma_wait3A_498, %dma_wait3A_499] : memref<4096x50x128xf32, #tpu.memory_space<hbm>> -> memref<2x50x128xf32, #tpu.memory_space<hbm>>
    tpu.wait_dma2 semaphore(%arg27 : memref<!tpu.dma_semaphore, #tpu.memory_space<semaphore_mem>>) src(%arg11 : memref<2x50x128xf32, #tpu.memory_space<vmem>>) dst(%dma_wait3A_500 : memref<2x50x128xf32, #tpu.memory_space<hbm>>)
    %add3A_501 = arith.constant 124 : i32
    %add3A_502 = arith.addi %mul3A_2, %add3A_501 : i32
    %dma_wait3A_503 = arith.constant 0 : i32
    %dma_wait3A_504 = arith.constant 0 : i32
    %dma_wait3A_505 = tpu.memref_slice %arg4[%add3A_502, %dma_wait3A_503, %dma_wait3A_504] : memref<4096x50x128xf32, #tpu.memory_space<hbm>> -> memref<2x50x128xf32, #tpu.memory_space<hbm>>
    %dma_wait3A_506 = arith.constant 0 : i32
    %dma_wait3A_507 = arith.constant 0 : i32
    %dma_wait3A_508 = tpu.memref_slice %arg4[%add3A_502, %dma_wait3A_506, %dma_wait3A_507] : memref<4096x50x128xf32, #tpu.memory_space<hbm>> -> memref<2x50x128xf32, #tpu.memory_space<hbm>>
    tpu.wait_dma2 semaphore(%arg28 : memref<!tpu.dma_semaphore, #tpu.memory_space<semaphore_mem>>) src(%arg12 : memref<2x50x128xf32, #tpu.memory_space<vmem>>) dst(%dma_wait3A_508 : memref<2x50x128xf32, #tpu.memory_space<hbm>>)
    %add3A_509 = arith.constant 126 : i32
    %add3A_510 = arith.addi %mul3A_2, %add3A_509 : i32
    %dma_wait3A_511 = arith.constant 0 : i32
    %dma_wait3A_512 = arith.constant 0 : i32
    %dma_wait3A_513 = tpu.memref_slice %arg4[%add3A_510, %dma_wait3A_511, %dma_wait3A_512] : memref<4096x50x128xf32, #tpu.memory_space<hbm>> -> memref<2x50x128xf32, #tpu.memory_space<hbm>>
    %dma_wait3A_514 = arith.constant 0 : i32
    %dma_wait3A_515 = arith.constant 0 : i32
    %dma_wait3A_516 = tpu.memref_slice %arg4[%add3A_510, %dma_wait3A_514, %dma_wait3A_515] : memref<4096x50x128xf32, #tpu.memory_space<hbm>> -> memref<2x50x128xf32, #tpu.memory_space<hbm>>
    tpu.wait_dma2 semaphore(%arg29 : memref<!tpu.dma_semaphore, #tpu.memory_space<semaphore_mem>>) src(%arg13 : memref<2x50x128xf32, #tpu.memory_space<vmem>>) dst(%dma_wait3A_516 : memref<2x50x128xf32, #tpu.memory_space<hbm>>)
    return
  }
}

</mosaic_0001>

<sc_bundles>
// kernel: _embed.3.cloned.1.call-start
scs
__scs_entry_jumppad:
0x0: {  	(pc) =	sbr.rel $0x88, $3  }
0x1: {  	(tag) =	ssettag $0x0;
	lr =	simm.s32 $0x1  }
0x2: {  	[smem:$0x3F9F] =	sst lr;
	_ =	strace $0xD0000000  }
0x3: {  	_ = 	snop  }
0x4: {  	_ = 	snop  }
0x5: {  	_ = 	snop  }
0x6: {  	_ = 	snop  }
0x7: {  	_ = 	snop  }
__scs_overlays_trampoline_lowered:
0x8: {  	[smem:$0x3FAE] =	sst s0  }
0x9: {  	[smem:$0x3FAF] =	sst s1  }
0xa: {  	[smem:$0x3FB0] =	sst s2  }
0xb: {  	[smem:$0x3FB1] =	sst s3  }
0xc: {  	[smem:$0x3FB2] =	sst s4  }
0xd: {  	[smem:$0x3FB3] =	sst s5  }
0xe: {  	[smem:$0x3FB4] =	sst s6  }
0xf: {  	[smem:$0x3FB5] =	sst s7  }
0x10: {  	[smem:$0x3FB6] =	sst s8  }
0x11: {  	[smem:$0x3FB7] =	sst s9;
	s0 =	simm.s32 @!p0 $0x0  }
0x12: {  	s1 =	sld [smem:$0x3F9D];
	s0 =	simm.s32 @p0 $0x1  }
0x13: {  	[smem:$0x3FB8] =	sst s0;
	s0 =	simm.s32 @!p1 $0x0  }
0x14: {  	s2 =	sld [smem:$0x3F9C];
	s0 =	simm.s32 @p1 $0x1  }
0x15: {  	[smem:$0x3FB9] =	sst s0;
	s0 =	simm.s32 @!p2 $0x0  }
0x16: {  	s3 =	sld [smem:$0x3FDB];
	s0 =	simm.s32 @p2 $0x1  }
0x17: {  	s4 =	simm.s32 $0x1BF5;
	[smem:$0x3FBB] =	sst s0  }
0x18: {  	s0 =	sld [smem:$0x3F9E];
	_ =	swait.ge [sflag:s4], $0x0  }
0x19: {  	s7 =	sld [smem:$0x3F9F]  }
0x1a: {  	s8 =	sadd.s32 $0xFFFFE003, lr  }
0x1b: {  	s9 =	sadd.s32 $0xFFFFFEF7, lr;
	s5 =	simm.s32 $0xFFFFFFFF;
	p2 =	slt.u32 s8, $0xFFFFF086  }
0x1c: {  	p1 =	slt.u32 s9, $0xF7A;
	s5 =	simm.s32 @!p2 $0x0  }
0x1d: {  	s5 =	simm.s32 @p1 $0x1;
	p0 =	seq.s32 s7, s2  }
0x1e: {  	s7 =	smul.u32 @!p0 $0xF7A, s2;
	p2 =	seq.s32 @!p0 s5, $0x0  }
0x1f: {  	s9 =	smul.u32 $0xF7A, s1;
	s8 =	simm.s32 @!p0 $0x1BF5;
	p2 =	por !p2, p0  }
0x20: {  	[sflag:s8] =	ssyncset.s32 @!p0 $0xFFFFF086;
	s6 =	sadd.s32 @!p0 s3, s7;
	s7 =	simm.s32 @!p0 $0x108  }
0x21: {  	s3 =	sadd.s32 s3, s9;
	s6 =	sadd.s32 @!p0 $0x88, s6;
	s7 =	simm.s32 @p2 $0x1082  }
0x22: {  	[simem:s7], [sflag:s8] =	dma.local @!p0 [hbm:s6], $0xF7A  }
0x23: {  	s9 =	sor.u32 $0xD0000000, s2;
	s6 =	simm.s32 $0x108;
	_ =	swait.ge @!p0 [sflag:s8], $0x0  }
0x24: {  	s3 =	sadd.s32 $0x88, s3;
	s6 =	simm.s32 @!p1 $0x1082;
	[sflag:s4] =	ssyncset.s32 $0xFFFFF086  }
0x25: {  	[simem:s6], [sflag:s4] =	dma.local [hbm:s3], $0xF7A  }
0x26: {  	[smem:$0x3F9F] =	sst s1;
	(tag) =	ssettag s2;
	_ =	strace s9  }
0x27: {  	s1 =	sld [smem:$0x3FAF]  }
0x28: {  	s2 =	sld [smem:$0x3FB0]  }
0x29: {  	s4 =	sld [smem:$0x3FB2]  }
0x2a: {  	p0 =	seq.s32 s5, $0x0;
	s5 =	sld [smem:$0x3FB3]  }
0x2b: {  	s6 =	sld [smem:$0x3FB4]  }
0x2c: {  	s7 =	sld [smem:$0x3FB5]  }
0x2d: {  	s3 =	simm.s32 $0x108;
	s8 =	sld [smem:$0x3FB6]  }
0x2e: {  	s3 =	simm.s32 @!p0 $0x1082;
	s9 =	sld [smem:$0x3FB7]  }
0x2f: {  	lr =	sadd.s32 s0, s3;
	s0 =	sld [smem:$0x3FAE]  }
0x30: {  	s3 =	sld [smem:$0x3FB1]  }
0x31: {  	[smem:$0x3FBA] =	sst s10  }
0x32: {  	s10 =	sld [smem:$0x3FB8];
	_ =	sdelay $0x3  }
0x33: {  	p0 =	seq.s32 s10, $0x1;
	s10 =	sld [smem:$0x3FBA];
	_ =	sdelay $0x3  }
0x34: {  	[smem:$0x3FBA] =	sst s10  }
0x35: {  	s10 =	sld [smem:$0x3FB9];
	_ =	sdelay $0x3  }
0x36: {  	p1 =	seq.s32 s10, $0x1;
	s10 =	sld [smem:$0x3FBA];
	_ =	sdelay $0x3  }
0x37: {  	[smem:$0x3FBA] =	sst s10  }
0x38: {  	s10 =	sld [smem:$0x3FBB]  }
0x39: {  	_ = 	snop;
	(pc) =	sbr.ind lr, $3  }
0x3a: {  	_ = 	snop  }
0x3b: {  	_ = 	snop  }
0x3c: {  	p2 =	seq.s32 s10, $0x1;
	s10 =	sld [smem:$0x3FBA]  }
0x3d: {  	_ =	shalt  }
0x3e: {  	_ =	shalt  }
0x3f: {  	_ =	shalt  }
0x40: {  	_ =	shalt  }
0x41: {  	_ =	shalt  }
0x42: {  	_ =	shalt  }
0x43: {  	_ =	shalt  }
0x44: {  	_ =	shalt  }
0x45: {  	_ =	shalt  }
0x46: {  	_ =	shalt  }
0x47: {  	_ =	shalt  }
0x48: {  	_ =	shalt  }
0x49: {  	_ =	shalt  }
0x4a: {  	_ =	shalt  }
0x4b: {  	_ =	shalt  }
0x4c: {  	_ =	shalt  }
0x4d: {  	_ =	shalt  }
0x4e: {  	_ =	shalt  }
0x4f: {  	_ =	shalt  }
0x50: {  	_ =	shalt  }
0x51: {  	_ =	shalt  }
0x52: {  	_ =	shalt  }
0x53: {  	_ =	shalt  }
0x54: {  	_ =	shalt  }
0x55: {  	_ =	shalt  }
0x56: {  	_ =	shalt  }
0x57: {  	_ =	shalt  }
0x58: {  	_ =	shalt  }
0x59: {  	_ =	shalt  }
0x5a: {  	_ =	shalt  }
0x5b: {  	_ =	shalt  }
0x5c: {  	_ =	shalt  }
0x5d: {  	_ =	shalt  }
0x5e: {  	_ =	shalt  }
0x5f: {  	_ =	shalt  }
0x60: {  	_ =	shalt  }
0x61: {  	_ =	shalt  }
0x62: {  	_ =	shalt  }
0x63: {  	_ =	shalt  }
0x64: {  	_ =	shalt  }
0x65: {  	_ =	shalt  }
0x66: {  	_ =	shalt  }
0x67: {  	_ =	shalt  }
0x68: {  	_ =	shalt  }
0x69: {  	_ =	shalt  }
0x6a: {  	_ =	shalt  }
0x6b: {  	_ =	shalt  }
0x6c: {  	_ =	shalt  }
0x6d: {  	_ =	shalt  }
0x6e: {  	_ =	shalt  }
0x6f: {  	_ =	shalt  }
0x70: {  	_ =	shalt  }
0x71: {  	_ =	shalt  }
0x72: {  	_ =	shalt  }
0x73: {  	_ =	shalt  }
0x74: {  	_ =	shalt  }
0x75: {  	_ =	shalt  }
0x76: {  	_ =	shalt  }
0x77: {  	_ =	shalt  }
0x78: {  	_ =	shalt  }
0x79: {  	_ =	shalt  }
0x7a: {  	_ =	shalt  }
0x7b: {  	_ =	shalt  }
0x7c: {  	_ =	shalt  }
0x7d: {  	_ =	shalt  }
0x7e: {  	_ =	shalt  }
0x7f: {  	_ =	shalt  }
0x80: {  	_ =	shalt  }
0x81: {  	_ =	shalt  }
0x82: {  	_ =	shalt  }
0x83: {  	_ =	shalt  }
0x84: {  	_ =	shalt  }
0x85: {  	_ =	shalt  }
0x86: {  	_ =	shalt  }
0x87: {  	_ =	shalt  }
.Lfunc_end0:
.L_simem_size_0:
called_computation_lowered:
.L_overlay_start_0:
0x88: {  	s2 =	sld [smem:$0x3FD9]  }
0x89: {  	s3 =	sld [smem:$0x3FFE];
	_ =	sdelay $0x1  }
0x8a: {  	s1 =	srdreg.scid  }
0x8b: {  	s0 =	sand.u32 $0x1, s1  }
0x8c: {  	s17 =	sshll.u32 s0, $0xA;
	s2 =	sadd.s32 s3, s2  }
0x8d: {  	s2 =	sadd.s32 s2, s17  }
0x8e: {  	[smem:$0x3FC6] =	sst s2  }
0x8f: {  	_ = 	snop  }
0x90: {  	s2 =	sld [smem:$0x3FC8]  }
0x91: {  	s18 =	sld [smem:$0x3FD0];
	(tm) =	ssettm $0x1  }
0x92: {  	s4 =	sld [smem:$0x3FFB];
	_ =	sdelay $0x3  }
0x93: {  	_ =	strace s4  }
0x94: {  	s4 =	sld [smem:$0x3FFC];
	_ =	sdelay $0x3  }
0x95: {  	_ =	strace s4  }
0x96: {  	s4 =	sld [smem:$0x3FFD];
	_ =	sdelay $0x3  }
0x97: {  	_ =	strace s4  }
0x98: {  	_ =	strace $0x8FFFFFFF  }
0x99: {  	s19 =	sld [smem:$0x3FDB];
	_ =	sdelay $0x1  }
0x9a: {  	s5 =	simm.s32 $_scs_section_size  }
0x9b: {  	s6 =	simm.s32 $_size__tile_overlayer_lowered;
	s7 =	simm.s32 $_tile_overlayer_lowered  }
0x9c: {  	s22 =	simm.s32 $0x1BFF;
	s21 =	sshll.u32 s7, $0x1;
	s4 =	sadd.s32 s5, s19  }
0x9d: {  	s8 =	simm.s32 $0x0;
	s20 =	sshll.u32 s6, $0x1;
	s6 =	sadd.s32 s21, s4  }
0x9e: {  	[timem:s8], [sflag:s22] =	dma.local [hbm:s6], s20  }
0x9f: {  	_ =	swait.ge [sflag:s22], s20  }
0xa0: {  	s5 =	ssub.s32 $0x0, s20;
	[sflag:s22] =	ssyncset.done $0x0  }
0xa1: {  	[sflag:s22] =	ssyncadd.s32 s5;
	_ =	sdelay $0x1  }
0xa2: {  	s23 =	simm.s32 $0x1B8B  }
0xa3: {  	_ =	swait.ge [sflag:s23], $0x1  }
0xa4: {  	[sflag:s23] =	ssyncset.done $0x0  }
0xa5: {  	s25 =	simm.s32 $0x1B8E;
	s24 =	sld [smem:$0x3FFE];
	[sflag:s23] =	ssyncadd.s32 $0xFFFFFFFF  }
0xa6: {  	s26 =	simm.s32 $execute0_lowered;
	[smem:$0x3FD2] =	sst s25  }
0xa7: {  	s6 =	sshll.u32 s26, $0x1;
	_ =	strace $0x80000046;
	[dreg:$0x1] =	wrdreg $0xFFFFFFFF  }
0xa8: {  	s28 =	simm.s32 $_size_execute0_lowered;
	s4 =	sadd.s32 s4, s6;
	[dreg:$0x0] =	wrdreg $0x0  }
0xa9: {  	s6 =	sshll.u32 s28, $0x1;
	[dreg:$0x2] =	wrdreg s4  }
0xaa: {  	[dreg:$0x3] =	wrdreg s6  }
0xab: {  	[dreg:$0x4] =	wrdreg $0xC0  }
0xac: {  	_ =	task [dreg:s8], $0x5FFFF  }
0xad: {  	[dreg:$0x1] =	wrdreg $0xFFFFFFFF  }
0xae: {  	[dreg:$0x0] =	wrdreg $0x60  }
0xaf: {  	[dreg:$0x2] =	wrdreg s18  }
0xb0: {  	[dreg:$0x3] =	wrdreg s2  }
0xb1: {  	[dreg:$0x4] =	wrdreg s24  }
0xb2: {  	[dreg:$0x5] =	wrdreg $0x9  }
0xb3: {  	_ =	task.clear_ibuf [dreg:s8], $0x6FFFF;
	_ =	strace $0x90000046  }
0xb4: {  	s29 =	simm.s32 $0x9;
	_ =	strace $0x80000048  }
0xb5: {  	_ =	swait.ge [sflag:s29], $0x1  }
0xb6: {  	[sflag:s29] =	ssyncadd.s32 $0xFFFFFFFF  }
0xb7: {  	_ =	strace $0x90000048  }
0xb8: {  	_ =	sfence  }
0xb9: {  	s30 =	sld [smem:$0x0];
	_ =	sdelay $0x2  }
0xba: {  	s31 =	sshll.u32 s1, $0xD;
	s1 =	sshrl.u32 s1, $0x2  }
0xbb: {  	s3 =	sand.u32 $0x4000, s31;
	s1 =	sadd.s32 s1, s30  }
0xbc: {  	s0 =	sor.u32 s3, s0;
	s1 =	sshll.u32 s1, $0x11  }
0xbd: {  	s0 =	sor.u32 s1, s0  }
0xbe: {  	s0 =	sadd.s32 $0x8F2B, s0  }
0xbf: {  	[sflag:s0] =	ssyncadd.remote.s32 $0x1  }
0xc0: {  	_ =	sfence.sel $0xFFFF  }
0xc1: {  	[dreg:$0x0] =	wrdreg $0xFFFFFFFF;
	(pc) =	sbr.abs _section_cstart, $3  }
0xc2: {  	[dreg:$0x1] =	wrdreg $0xFFFFFFFF  }
0xc3: {  	_ =	task.clear_ibuf [dreg:s8], $0x2FFFF;
	_ =	strace $0x9FFFFFFF  }
0xc4: {  	(tm) =	ssettm $0x7FFFFFFF  }
0xc5: {  	_ =	shalt  }
tec
execute0_lowered:
.L_overlay_start_1:
0x0: {  	(tag) =	ssettag $0x1  }
0x1: {  	s0 =	rddreg [dreg:$0x0]  }
0x2: {  	s2 =	rddreg [dreg:$0x1]  }
0x3: {  	s1 =	rddreg [dreg:$0x2]  }
0x4: {  	s3 =	srdreg.scid;
	s10 =	stileid.u32;
	s16 =	simm.s32 $0x32  }
0x5: {  	s28 =	simm.s32 $0x9400;
	s29 =	simm.s32 $0xCC00;
	s13 =	simm.s32 $0x2  }
0x6: {  	s15 =	simm.s32 $0x3;
	s11 =	simm.s32 $0x7;
	s31 =	simm.s32 $0x9400  }
0x7: {  	s4 =	sand.u32 $0x1, s3;
	s3 =	simm.s32 $0x0;
	s5 =	sshll.u32 s10, $0x8  }
0x8: {  	s1 =	sadd.s32 $0x400, s1;
	s22 =	smul.u32 $0x38000, s10;
	s6 =	sshll.u32 s4, $0x7  }
0x9: {  	s18 =	ssub.s32 $0x2, s4;
	s4 =	smul.u32 $0x1C000, s4;
	s5 =	sor.u32 s6, s5  }
0xa: {  	[smem:$0x7FF] =	sst s3;
	s8 =	sshrl.u32 s18, $0x1;
	s7 =	smul.u32 $0x380, s5  }
0xb: {  	_ =	strace $0x80000047;
	s9 =	smul.u32 $0x1C00, s5;
	s6 =	ssub.s32 s18, s8  }
0xc: {  	s5 =	sshll.u32 s5, $0x4;
	s18 =	simm.s32 $0x4000;
	s8 =	simm.s32 $0x0  }
0xd: {  	s0 =	sadd.s32 s0, s5;
	s26 =	smax.u32 s6, $0x1;
	s5 =	simm.s32 $0x1  }
0xe: {  	s6 =	simm.s32 $0x4;
	s7 =	sadd.s32 s1, s7;
	[dreg:$0x5] =	wrdreg s0  }
0xf: {  	s20 =	sshrl.u32 s9, $0x3;
	[dreg:$0xd] =	wrdreg s26;
	s26 =	simm.s32 $0x7800  }
0x10: {  	s9 =	simm.s32 $0x6;
	s19 =	sadd.s32 $0x700, s7;
	[dreg:$0x4] =	wrdreg s7  }
0x11: {  	s21 =	sadd.s32 $0xE00, s7;
	s0 =	sadd.s32 s1, s20;
	[dreg:$0x6] =	wrdreg s19  }
0x12: {  	s7 =	sadd.s32 $0x1500, s7;
	s1 =	sadd.s32 s22, s1;
	[dreg:$0x7] =	wrdreg s21  }
0x13: {  	s22 =	simm.s32 $0x5C00;
	[dreg:$0x8] =	wrdreg s7;
	s23 =	sadd.s32 $0x1A400, s0  }
0x14: {  	s20 =	simm.s32 $0xB000;
	s24 =	sadd.s32 $0x1AB00, s0;
	[dreg:$0x9] =	wrdreg s23  }
0x15: {  	s25 =	sadd.s32 $0x1B200, s0;
	s0 =	sadd.s32 $0x1B900, s0;
	[dreg:$0xa] =	wrdreg s24  }
0x16: {  	s30 =	sadd.s32 s4, s1;
	s1 =	simm.s32 $0x10400;
	[dreg:$0xb] =	wrdreg s25  }
0x17: {  	s7 =	simm.s32 $0x5;
	[dreg:$0xc] =	wrdreg s0;
	s0 =	sadd.s32 $0x4D00, s30  }
0x18: {  	s4 =	simm.s32 $0x8;
	s24 =	simm.s32 $0xE800;
	[dreg:$0xe] =	wrdreg s0  }
.LBB2_1:
0x19: {  	[dreg:$0xf] =	wrdreg s8  }
0x1a: {  	s0 =	rddreg [dreg:$0x5];
	s12 =	simm.s32 $0x11  }
0x1b: {  	[tilespmem:s3], [sflag:$0x11] =	stream.linear.gather [hbm4b:s0+s3], $0x4000, $0x38;
	v63 =	vld [tilespmem:$0x0]  }
0x1c: {  	_ =	swait.ge [sflag:s12], $0x4000  }
0x1d: {  	[sflag:s12] =	ssyncset.done $0x0  }
0x1e: {  	[sflag:s12] =	ssyncadd.s32 $0xFFFFC000  }
0x1f: {  	[tilespmem:s18], [sflag:$0x1] =	stream.indirect.gather [hbm4b:s2+s16], $0x80, s3, s16, $0xb8;
	v63 =	vld [tilespmem:$0x0]  }
0x20: {  	s14 =	simm.s32 $0x80  }
0x21: {  	[tilespmem:s22], [sflag:$0x1] =	stream.indirect.gather [hbm4b:s2+s16], $0x80, s14, s16, $0xb8;
	v63 =	vld [tilespmem:$0x0]  }
0x22: {  	s17 =	simm.s32 $0x100  }
0x23: {  	[tilespmem:s26], [sflag:$0x2] =	stream.indirect.gather [hbm4b:s2+s16], $0x80, s17, s16, $0xb8;
	v63 =	vld [tilespmem:$0x0]  }
0x24: {  	s19 =	simm.s32 $0x180  }
0x25: {  	[tilespmem:s28], [sflag:$0x2] =	stream.indirect.gather [hbm4b:s2+s16], $0x80, s19, s16, $0xb8;
	v63 =	vld [tilespmem:$0x0]  }
0x26: {  	s21 =	simm.s32 $0x200  }
0x27: {  	[tilespmem:s20], [sflag:$0x3] =	stream.indirect.gather [hbm4b:s2+s16], $0x80, s21, s16, $0xb8;
	v63 =	vld [tilespmem:$0x0]  }
0x28: {  	s23 =	simm.s32 $0x280  }
0x29: {  	[tilespmem:s29], [sflag:$0x3] =	stream.indirect.gather [hbm4b:s2+s16], $0x80, s23, s16, $0xb8;
	v63 =	vld [tilespmem:$0x0]  }
0x2a: {  	s25 =	simm.s32 $0x300  }
0x2b: {  	[tilespmem:s24], [sflag:$0x4] =	stream.indirect.gather [hbm4b:s2+s16], $0x80, s25, s16, $0xb8;
	v63 =	vld [tilespmem:$0x0]  }
0x2c: {  	s8 =	simm.s32 $0x380  }
0x2d: {  	[tilespmem:s1], [sflag:$0x4] =	stream.indirect.gather [hbm4b:s2+s16], $0x80, s8, s16, $0xb8;
	v63 =	vld [tilespmem:$0x0]  }
0x2e: {  	s10 =	simm.s32 $0x400;
	s8 =	simm.s32 $0x12000  }
0x2f: {  	[tilespmem:s8], [sflag:$0x5] =	stream.indirect.gather [hbm4b:s2+s16], $0x80, s10, s16, $0xb8;
	v63 =	vld [tilespmem:$0x0]  }
0x30: {  	s12 =	simm.s32 $0x480;
	s10 =	simm.s32 $0x13C00  }
0x31: {  	[tilespmem:s10], [sflag:$0x5] =	stream.indirect.gather [hbm4b:s2+s16], $0x80, s12, s16, $0xb8;
	v63 =	vld [tilespmem:$0x0]  }
0x32: {  	s14 =	simm.s32 $0x500;
	s12 =	simm.s32 $0x15800  }
0x33: {  	[tilespmem:s12], [sflag:$0x6] =	stream.indirect.gather [hbm4b:s2+s16], $0x80, s14, s16, $0xb8;
	v63 =	vld [tilespmem:$0x0]  }
0x34: {  	s17 =	simm.s32 $0x580;
	s14 =	simm.s32 $0x17400  }
0x35: {  	[tilespmem:s14], [sflag:$0x6] =	stream.indirect.gather [hbm4b:s2+s16], $0x80, s17, s16, $0xb8;
	v63 =	vld [tilespmem:$0x0]  }
0x36: {  	s19 =	simm.s32 $0x600;
	s17 =	simm.s32 $0x19000  }
0x37: {  	[tilespmem:s17], [sflag:$0x7] =	stream.indirect.gather [hbm4b:s2+s16], $0x80, s19, s16, $0xb8;
	v63 =	vld [tilespmem:$0x0]  }
0x38: {  	s21 =	simm.s32 $0x680;
	s19 =	simm.s32 $0x1AC00  }
0x39: {  	[tilespmem:s19], [sflag:$0x7] =	stream.indirect.gather [hbm4b:s2+s16], $0x80, s21, s16, $0xb8;
	v63 =	vld [tilespmem:$0x0]  }
0x3a: {  	s23 =	simm.s32 $0x700;
	s21 =	simm.s32 $0x1C800  }
0x3b: {  	[tilespmem:s21], [sflag:$0x8] =	stream.indirect.gather [hbm4b:s2+s16], $0x80, s23, s16, $0xb8;
	v63 =	vld [tilespmem:$0x0]  }
0x3c: {  	s25 =	simm.s32 $0x780;
	s23 =	simm.s32 $0x1E400  }
0x3d: {  	[tilespmem:s23], [sflag:$0x8] =	stream.indirect.gather [hbm4b:s2+s16], $0x80, s25, s16, $0xb8;
	v63 =	vld [tilespmem:$0x0]  }
0x3e: {  	_ =	swait.ge [sflag:s5], $0x1900  }
0x3f: {  	[sflag:s5] =	ssyncset.done $0x0  }
0x40: {  	[sflag:s5] =	ssyncadd.s32 $0xFFFFE700  }
0x41: {  	_ =	swait.ge [sflag:s5], $0x1900  }
0x42: {  	[sflag:s5] =	ssyncset.done $0x0  }
0x43: {  	s25 =	rddreg [dreg:$0x4];
	[sflag:s5] =	ssyncadd.s32 $0xFFFFE700  }
0x44: {  	[hbm4b:s25+s3] =	stream.linear.scatter [tilespmem:s18], [sflag:$0x9], $0x1900, $0x38;
	v63 =	vld [tilespmem:$0x0]  }
0x45: {  	s25 =	sadd.s32 $0x380, s25  }
0x46: {  	[hbm4b:s25+s3] =	stream.linear.scatter [tilespmem:s22], [sflag:$0x9], $0x1900, $0x38;
	v63 =	vld [tilespmem:$0x0]  }
0x47: {  	_ =	swait.ge [sflag:s13], $0x1900  }
0x48: {  	[sflag:s13] =	ssyncset.done $0x0  }
0x49: {  	[sflag:s13] =	ssyncadd.s32 $0xFFFFE700  }
0x4a: {  	_ =	swait.ge [sflag:s13], $0x1900  }
0x4b: {  	[sflag:s13] =	ssyncset.done $0x0  }
0x4c: {  	s25 =	rddreg [dreg:$0x6];
	[sflag:s13] =	ssyncadd.s32 $0xFFFFE700  }
0x4d: {  	[hbm4b:s25+s3] =	stream.linear.scatter [tilespmem:s26], [sflag:$0xA], $0x1900, $0x38;
	v63 =	vld [tilespmem:$0x0]  }
0x4e: {  	s0 =	sadd.s32 $0x380, s25  }
0x4f: {  	[hbm4b:s0+s3] =	stream.linear.scatter [tilespmem:s28], [sflag:$0xA], $0x1900, $0x38;
	v63 =	vld [tilespmem:$0x0]  }
0x50: {  	_ =	swait.ge [sflag:s15], $0x1900  }
0x51: {  	[sflag:s15] =	ssyncset.done $0x0  }
0x52: {  	[sflag:s15] =	ssyncadd.s32 $0xFFFFE700  }
0x53: {  	_ =	swait.ge [sflag:s15], $0x1900  }
0x54: {  	[sflag:s15] =	ssyncset.done $0x0  }
0x55: {  	s25 =	rddreg [dreg:$0x7];
	[sflag:s15] =	ssyncadd.s32 $0xFFFFE700  }
0x56: {  	[hbm4b:s25+s3] =	stream.linear.scatter [tilespmem:s20], [sflag:$0xB], $0x1900, $0x38;
	v63 =	vld [tilespmem:$0x0]  }
0x57: {  	s0 =	sadd.s32 $0x380, s25  }
0x58: {  	[hbm4b:s0+s3] =	stream.linear.scatter [tilespmem:s29], [sflag:$0xB], $0x1900, $0x38;
	v63 =	vld [tilespmem:$0x0]  }
0x59: {  	_ =	swait.ge [sflag:s6], $0x1900  }
0x5a: {  	[sflag:s6] =	ssyncset.done $0x0  }
0x5b: {  	[sflag:s6] =	ssyncadd.s32 $0xFFFFE700  }
0x5c: {  	_ =	swait.ge [sflag:s6], $0x1900  }
0x5d: {  	[sflag:s6] =	ssyncset.done $0x0  }
0x5e: {  	s25 =	rddreg [dreg:$0x8];
	[sflag:s6] =	ssyncadd.s32 $0xFFFFE700  }
0x5f: {  	[hbm4b:s25+s3] =	stream.linear.scatter [tilespmem:s24], [sflag:$0xC], $0x1900, $0x38;
	v63 =	vld [tilespmem:$0x0]  }
0x60: {  	s0 =	sadd.s32 $0x380, s25  }
0x61: {  	[hbm4b:s0+s3] =	stream.linear.scatter [tilespmem:s1], [sflag:$0xC], $0x1900, $0x38;
	v63 =	vld [tilespmem:$0x0]  }
0x62: {  	_ =	swait.ge [sflag:s7], $0x1900  }
0x63: {  	[sflag:s7] =	ssyncset.done $0x0  }
0x64: {  	[sflag:s7] =	ssyncadd.s32 $0xFFFFE700  }
0x65: {  	_ =	swait.ge [sflag:s7], $0x1900  }
0x66: {  	[sflag:s7] =	ssyncset.done $0x0;
	s0 =	rddreg [dreg:$0xe]  }
0x67: {  	[sflag:s7] =	ssyncadd.s32 $0xFFFFE700;
	s25 =	sadd.s32 $0xFFFFCF00, s0  }
0x68: {  	[hbm4b:s25+s3] =	stream.linear.scatter [tilespmem:s8], [sflag:$0xD], $0x1900, $0x38;
	v63 =	vld [tilespmem:$0x0]  }
0x69: {  	s25 =	sadd.s32 $0xFFFFD280, s0  }
0x6a: {  	[hbm4b:s25+s3] =	stream.linear.scatter [tilespmem:s10], [sflag:$0xD], $0x1900, $0x38;
	v63 =	vld [tilespmem:$0x0]  }
0x6b: {  	s25 =	simm.s32 $0x9  }
0x6c: {  	_ =	swait.ge [sflag:s25], $0x3200  }
0x6d: {  	[sflag:s25] =	ssyncset.done $0x0  }
0x6e: {  	[sflag:s25] =	ssyncadd.s32 $0xFFFFCE00;
	s25 =	simm.s32 $0x800  }
0x6f: {  	[tilespmem:s18], [sflag:$0x1] =	stream.indirect.gather [hbm4b:s2+s16], $0x80, s25, s16, $0xb8;
	v63 =	vld [tilespmem:$0x0]  }
0x70: {  	s25 =	simm.s32 $0x880  }
0x71: {  	[tilespmem:s22], [sflag:$0x1] =	stream.indirect.gather [hbm4b:s2+s16], $0x80, s25, s16, $0xb8;
	v63 =	vld [tilespmem:$0x0]  }
0x72: {  	_ =	swait.ge [sflag:s9], $0x1900  }
0x73: {  	[sflag:s9] =	ssyncset.done $0x0  }
0x74: {  	[sflag:s9] =	ssyncadd.s32 $0xFFFFE700  }
0x75: {  	_ =	swait.ge [sflag:s9], $0x1900  }
0x76: {  	[sflag:s9] =	ssyncset.done $0x0  }
0x77: {  	s25 =	sadd.s32 $0xFFFFD600, s0;
	[sflag:s9] =	ssyncadd.s32 $0xFFFFE700  }
0x78: {  	[hbm4b:s25+s3] =	stream.linear.scatter [tilespmem:s12], [sflag:$0xE], $0x1900, $0x38;
	v63 =	vld [tilespmem:$0x0]  }
0x79: {  	s25 =	sadd.s32 $0xFFFFD980, s0  }
0x7a: {  	[hbm4b:s25+s3] =	stream.linear.scatter [tilespmem:s14], [sflag:$0xE], $0x1900, $0x38;
	v63 =	vld [tilespmem:$0x0]  }
0x7b: {  	s25 =	simm.s32 $0xA  }
0x7c: {  	_ =	swait.ge [sflag:s25], $0x3200  }
0x7d: {  	[sflag:s25] =	ssyncset.done $0x0  }
0x7e: {  	[sflag:s25] =	ssyncadd.s32 $0xFFFFCE00;
	s25 =	simm.s32 $0x900  }
0x7f: {  	[tilespmem:s26], [sflag:$0x2] =	stream.indirect.gather [hbm4b:s2+s16], $0x80, s25, s16, $0xb8;
	v63 =	vld [tilespmem:$0x0]  }
0x80: {  	s25 =	simm.s32 $0x980  }
0x81: {  	[tilespmem:s28], [sflag:$0x2] =	stream.indirect.gather [hbm4b:s2+s16], $0x80, s25, s16, $0xb8;
	v63 =	vld [tilespmem:$0x0]  }
0x82: {  	_ =	swait.ge [sflag:s11], $0x1900  }
0x83: {  	[sflag:s11] =	ssyncset.done $0x0  }
0x84: {  	[sflag:s11] =	ssyncadd.s32 $0xFFFFE700  }
0x85: {  	_ =	swait.ge [sflag:s11], $0x1900  }
0x86: {  	[sflag:s11] =	ssyncset.done $0x0  }
0x87: {  	s25 =	sadd.s32 $0xFFFFDD00, s0;
	[sflag:s11] =	ssyncadd.s32 $0xFFFFE700  }
0x88: {  	[hbm4b:s25+s3] =	stream.linear.scatter [tilespmem:s17], [sflag:$0xF], $0x1900, $0x38;
	v63 =	vld [tilespmem:$0x0]  }
0x89: {  	s25 =	sadd.s32 $0xFFFFE080, s0  }
0x8a: {  	[hbm4b:s25+s3] =	stream.linear.scatter [tilespmem:s19], [sflag:$0xF], $0x1900, $0x38;
	v63 =	vld [tilespmem:$0x0]  }
0x8b: {  	s25 =	simm.s32 $0xB  }
0x8c: {  	_ =	swait.ge [sflag:s25], $0x3200  }
0x8d: {  	[sflag:s25] =	ssyncset.done $0x0  }
0x8e: {  	[sflag:s25] =	ssyncadd.s32 $0xFFFFCE00;
	s25 =	simm.s32 $0xA00  }
0x8f: {  	[tilespmem:s20], [sflag:$0x3] =	stream.indirect.gather [hbm4b:s2+s16], $0x80, s25, s16, $0xb8;
	v63 =	vld [tilespmem:$0x0]  }
0x90: {  	s25 =	simm.s32 $0xA80  }
0x91: {  	[tilespmem:s29], [sflag:$0x3] =	stream.indirect.gather [hbm4b:s2+s16], $0x80, s25, s16, $0xb8;
	v63 =	vld [tilespmem:$0x0]  }
0x92: {  	_ =	swait.ge [sflag:s4], $0x1900  }
0x93: {  	[sflag:s4] =	ssyncset.done $0x0  }
0x94: {  	[sflag:s4] =	ssyncadd.s32 $0xFFFFE700  }
0x95: {  	_ =	swait.ge [sflag:s4], $0x1900  }
0x96: {  	[sflag:s4] =	ssyncset.done $0x0  }
0x97: {  	s25 =	sadd.s32 $0xFFFFE400, s0;
	[sflag:s4] =	ssyncadd.s32 $0xFFFFE700  }
0x98: {  	[hbm4b:s25+s3] =	stream.linear.scatter [tilespmem:s21], [sflag:$0x10], $0x1900, $0x38;
	v63 =	vld [tilespmem:$0x0]  }
0x99: {  	s25 =	sadd.s32 $0xFFFFE780, s0  }
0x9a: {  	[hbm4b:s25+s3] =	stream.linear.scatter [tilespmem:s23], [sflag:$0x10], $0x1900, $0x38;
	v63 =	vld [tilespmem:$0x0]  }
0x9b: {  	s25 =	simm.s32 $0xC  }
0x9c: {  	_ =	swait.ge [sflag:s25], $0x3200  }
0x9d: {  	[sflag:s25] =	ssyncset.done $0x0  }
0x9e: {  	s23 =	simm.s32 $0xB00;
	[sflag:s25] =	ssyncadd.s32 $0xFFFFCE00  }
0x9f: {  	[tilespmem:s24], [sflag:$0x4] =	stream.indirect.gather [hbm4b:s2+s16], $0x80, s23, s16, $0xb8;
	v63 =	vld [tilespmem:$0x0]  }
0xa0: {  	s23 =	simm.s32 $0xB80  }
0xa1: {  	[tilespmem:s1], [sflag:$0x4] =	stream.indirect.gather [hbm4b:s2+s16], $0x80, s23, s16, $0xb8;
	v63 =	vld [tilespmem:$0x0]  }
0xa2: {  	_ =	swait.ge [sflag:s5], $0x1900  }
0xa3: {  	[sflag:s5] =	ssyncset.done $0x0  }
0xa4: {  	[sflag:s5] =	ssyncadd.s32 $0xFFFFE700  }
0xa5: {  	_ =	swait.ge [sflag:s5], $0x1900  }
0xa6: {  	[sflag:s5] =	ssyncset.done $0x0  }
0xa7: {  	s23 =	sadd.s32 $0xFFFFEB00, s0;
	[sflag:s5] =	ssyncadd.s32 $0xFFFFE700  }
0xa8: {  	[hbm4b:s23+s3] =	stream.linear.scatter [tilespmem:s18], [sflag:$0x9], $0x1900, $0x38;
	v63 =	vld [tilespmem:$0x0]  }
0xa9: {  	s18 =	sadd.s32 $0xFFFFEE80, s0  }
0xaa: {  	[hbm4b:s18+s3] =	stream.linear.scatter [tilespmem:s22], [sflag:$0x9], $0x1900, $0x38;
	v63 =	vld [tilespmem:$0x0]  }
0xab: {  	s22 =	simm.s32 $0xD  }
0xac: {  	_ =	swait.ge [sflag:s22], $0x3200  }
0xad: {  	[sflag:s22] =	ssyncset.done $0x0  }
0xae: {  	s23 =	simm.s32 $0xC00;
	[sflag:s22] =	ssyncadd.s32 $0xFFFFCE00  }
0xaf: {  	[tilespmem:s8], [sflag:$0x5] =	stream.indirect.gather [hbm4b:s2+s16], $0x80, s23, s16, $0xb8;
	v63 =	vld [tilespmem:$0x0]  }
0xb0: {  	s18 =	simm.s32 $0xC80  }
0xb1: {  	[tilespmem:s10], [sflag:$0x5] =	stream.indirect.gather [hbm4b:s2+s16], $0x80, s18, s16, $0xb8;
	v63 =	vld [tilespmem:$0x0]  }
0xb2: {  	_ =	swait.ge [sflag:s13], $0x1900  }
0xb3: {  	[sflag:s13] =	ssyncset.done $0x0  }
0xb4: {  	[sflag:s13] =	ssyncadd.s32 $0xFFFFE700  }
0xb5: {  	_ =	swait.ge [sflag:s13], $0x1900  }
0xb6: {  	[sflag:s13] =	ssyncset.done $0x0  }
0xb7: {  	s22 =	sadd.s32 $0xFFFFF200, s0;
	[sflag:s13] =	ssyncadd.s32 $0xFFFFE700  }
0xb8: {  	[hbm4b:s22+s3] =	stream.linear.scatter [tilespmem:s26], [sflag:$0xA], $0x1900, $0x38;
	v63 =	vld [tilespmem:$0x0]  }
0xb9: {  	s23 =	sadd.s32 $0xFFFFF580, s0;
	s26 =	simm.s32 $0xE  }
0xba: {  	[hbm4b:s23+s3] =	stream.linear.scatter [tilespmem:s28], [sflag:$0xA], $0x1900, $0x38;
	v63 =	vld [tilespmem:$0x0]  }
0xbb: {  	_ =	swait.ge [sflag:s26], $0x3200  }
0xbc: {  	[sflag:s26] =	ssyncset.done $0x0  }
0xbd: {  	s10 =	simm.s32 $0xD00;
	[sflag:s26] =	ssyncadd.s32 $0xFFFFCE00  }
0xbe: {  	[tilespmem:s12], [sflag:$0x6] =	stream.indirect.gather [hbm4b:s2+s16], $0x80, s10, s16, $0xb8;
	v63 =	vld [tilespmem:$0x0]  }
0xbf: {  	s12 =	simm.s32 $0xD80  }
0xc0: {  	[tilespmem:s14], [sflag:$0x6] =	stream.indirect.gather [hbm4b:s2+s16], $0x80, s12, s16, $0xb8;
	v63 =	vld [tilespmem:$0x0]  }
0xc1: {  	_ =	swait.ge [sflag:s15], $0x1900  }
0xc2: {  	[sflag:s15] =	ssyncset.done $0x0  }
0xc3: {  	[sflag:s15] =	ssyncadd.s32 $0xFFFFE700  }
0xc4: {  	_ =	swait.ge [sflag:s15], $0x1900  }
0xc5: {  	[sflag:s15] =	ssyncset.done $0x0  }
0xc6: {  	s14 =	sadd.s32 $0xFFFFF900, s0;
	[sflag:s15] =	ssyncadd.s32 $0xFFFFE700  }
0xc7: {  	[hbm4b:s14+s3] =	stream.linear.scatter [tilespmem:s20], [sflag:$0xB], $0x1900, $0x38;
	v63 =	vld [tilespmem:$0x0]  }
0xc8: {  	s18 =	sadd.s32 $0xFFFFFC80, s0;
	s20 =	simm.s32 $0xF  }
0xc9: {  	[hbm4b:s18+s3] =	stream.linear.scatter [tilespmem:s29], [sflag:$0xB], $0x1900, $0x38;
	v63 =	vld [tilespmem:$0x0]  }
0xca: {  	_ =	swait.ge [sflag:s20], $0x3200  }
0xcb: {  	[sflag:s20] =	ssyncset.done $0x0  }
0xcc: {  	s22 =	simm.s32 $0xE00;
	[sflag:s20] =	ssyncadd.s32 $0xFFFFCE00  }
0xcd: {  	[tilespmem:s17], [sflag:$0x7] =	stream.indirect.gather [hbm4b:s2+s16], $0x80, s22, s16, $0xb8;
	v63 =	vld [tilespmem:$0x0]  }
0xce: {  	s23 =	simm.s32 $0xE80  }
0xcf: {  	[tilespmem:s19], [sflag:$0x7] =	stream.indirect.gather [hbm4b:s2+s16], $0x80, s23, s16, $0xb8;
	v63 =	vld [tilespmem:$0x0]  }
0xd0: {  	_ =	swait.ge [sflag:s6], $0x1900  }
0xd1: {  	[sflag:s6] =	ssyncset.done $0x0  }
0xd2: {  	[sflag:s6] =	ssyncadd.s32 $0xFFFFE700  }
0xd3: {  	_ =	swait.ge [sflag:s6], $0x1900  }
0xd4: {  	[sflag:s6] =	ssyncset.done $0x0  }
0xd5: {  	s30 =	simm.s32 $0xF80;
	[sflag:s6] =	ssyncadd.s32 $0xFFFFE700  }
0xd6: {  	[hbm4b:s0+s3] =	stream.linear.scatter [tilespmem:s24], [sflag:$0xC], $0x1900, $0x38;
	v63 =	vld [tilespmem:$0x0]  }
0xd7: {  	s25 =	simm.s32 $0x10;
	s28 =	sadd.s32 $0x3800, s0;
	s24 =	sadd.s32 $0x380, s0  }
0xd8: {  	[hbm4b:s24+s3] =	stream.linear.scatter [tilespmem:s1], [sflag:$0xC], $0x1900, $0x38;
	v63 =	vld [tilespmem:$0x0]  }
0xd9: {  	s26 =	simm.s32 $0xF00;
	s29 =	simm.s32 $0xCC00;
	_ =	swait.ge [sflag:s25], $0x3200  }
0xda: {  	s18 =	simm.s32 $0x4000;
	s20 =	simm.s32 $0xB000;
	[sflag:s25] =	ssyncset.done $0x0  }
0xdb: {  	s22 =	simm.s32 $0x5C00;
	s24 =	simm.s32 $0xE800;
	[sflag:s25] =	ssyncadd.s32 $0xFFFFCE00  }
0xdc: {  	[tilespmem:s21], [sflag:$0x8] =	stream.indirect.gather [hbm4b:s2+s16], $0x80, s26, s16, $0xb8;
	v63 =	vld [tilespmem:$0x0]  }
0xdd: {  	s1 =	simm.s32 $0x10400;
	s25 =	simm.s32 $0x2000;
	s26 =	simm.s32 $0x7800  }
.LBB2_2:
0xde: {  	s10 =	simm.s32 $0x1E400  }
0xdf: {  	[tilespmem:s10], [sflag:$0x8] =	stream.indirect.gather [hbm4b:s2+s16], $0x80, s30, s16, $0xb8;
	v63 =	vld [tilespmem:$0x0]  }
0xe0: {  	s30 =	smov.u32 s25  }
0xe1: {  	p0 =	sne.s32 s25, $0xC000;
	s25 =	sadd.s32 $0x2000, s25;
	_ =	swait.ge [sflag:s7], $0x1900  }
0xe2: {  	[sflag:s7] =	ssyncset.done $0x0  }
0xe3: {  	[sflag:s7] =	ssyncadd.s32 $0xFFFFE700  }
0xe4: {  	_ =	swait.ge [sflag:s7], $0x1900  }
0xe5: {  	[sflag:s7] =	ssyncset.done $0x0  }
0xe6: {  	s0 =	sadd.s32 $0xFFFFCF00, s28;
	s8 =	simm.s32 $0x12000;
	[sflag:s7] =	ssyncadd.s32 $0xFFFFE700  }
0xe7: {  	[hbm4b:s0+s3] =	stream.linear.scatter [tilespmem:s8], [sflag:$0xD], $0x1900, $0x38;
	v63 =	vld [tilespmem:$0x0]  }
0xe8: {  	s12 =	simm.s32 $0x13C00;
	s0 =	sadd.s32 $0xFFFFD280, s28  }
0xe9: {  	[hbm4b:s0+s3] =	stream.linear.scatter [tilespmem:s12], [sflag:$0xD], $0x1900, $0x38;
	v63 =	vld [tilespmem:$0x0]  }
0xea: {  	s0 =	simm.s32 $0x9  }
0xeb: {  	_ =	swait.ge [sflag:s0], $0x3200  }
0xec: {  	s30 =	sshra.s32 s30, $0x2;
	[sflag:s0] =	ssyncset.done $0x0  }
0xed: {  	[sflag:s0] =	ssyncadd.s32 $0xFFFFCE00;
	s0 =	sadd.s32 $0x800, s30  }
0xee: {  	[tilespmem:s18], [sflag:$0x1] =	stream.indirect.gather [hbm4b:s2+s16], $0x80, s0, s16, $0xb8;
	v63 =	vld [tilespmem:$0x0]  }
0xef: {  	s0 =	sadd.s32 $0x880, s30  }
0xf0: {  	[tilespmem:s22], [sflag:$0x1] =	stream.indirect.gather [hbm4b:s2+s16], $0x80, s0, s16, $0xb8;
	v63 =	vld [tilespmem:$0x0]  }
0xf1: {  	_ =	swait.ge [sflag:s9], $0x1900  }
0xf2: {  	[sflag:s9] =	ssyncset.done $0x0  }
0xf3: {  	[sflag:s9] =	ssyncadd.s32 $0xFFFFE700  }
0xf4: {  	_ =	swait.ge [sflag:s9], $0x1900  }
0xf5: {  	[sflag:s9] =	ssyncset.done $0x0  }
0xf6: {  	s14 =	simm.s32 $0x15800;
	s0 =	sadd.s32 $0xFFFFD600, s28;
	[sflag:s9] =	ssyncadd.s32 $0xFFFFE700  }
0xf7: {  	[hbm4b:s0+s3] =	stream.linear.scatter [tilespmem:s14], [sflag:$0xE], $0x1900, $0x38;
	v63 =	vld [tilespmem:$0x0]  }
0xf8: {  	s17 =	simm.s32 $0x17400;
	s0 =	sadd.s32 $0xFFFFD980, s28  }
0xf9: {  	[hbm4b:s0+s3] =	stream.linear.scatter [tilespmem:s17], [sflag:$0xE], $0x1900, $0x38;
	v63 =	vld [tilespmem:$0x0]  }
0xfa: {  	s0 =	simm.s32 $0xA  }
0xfb: {  	_ =	swait.ge [sflag:s0], $0x3200  }
0xfc: {  	[sflag:s0] =	ssyncset.done $0x0  }
0xfd: {  	[sflag:s0] =	ssyncadd.s32 $0xFFFFCE00;
	s0 =	sadd.s32 $0x900, s30  }
0xfe: {  	[tilespmem:s26], [sflag:$0x2] =	stream.indirect.gather [hbm4b:s2+s16], $0x80, s0, s16, $0xb8;
	v63 =	vld [tilespmem:$0x0]  }
0xff: {  	s0 =	sadd.s32 $0x980, s30  }
0x100: {  	[tilespmem:s31], [sflag:$0x2] =	stream.indirect.gather [hbm4b:s2+s16], $0x80, s0, s16, $0xb8;
	v63 =	vld [tilespmem:$0x0]  }
0x101: {  	_ =	swait.ge [sflag:s11], $0x1900  }
0x102: {  	[sflag:s11] =	ssyncset.done $0x0  }
0x103: {  	[sflag:s11] =	ssyncadd.s32 $0xFFFFE700  }
0x104: {  	_ =	swait.ge [sflag:s11], $0x1900  }
0x105: {  	[sflag:s11] =	ssyncset.done $0x0  }
0x106: {  	s19 =	simm.s32 $0x19000;
	s0 =	sadd.s32 $0xFFFFDD00, s28;
	[sflag:s11] =	ssyncadd.s32 $0xFFFFE700  }
0x107: {  	[hbm4b:s0+s3] =	stream.linear.scatter [tilespmem:s19], [sflag:$0xF], $0x1900, $0x38;
	v63 =	vld [tilespmem:$0x0]  }
0x108: {  	s21 =	simm.s32 $0x1AC00;
	s0 =	sadd.s32 $0xFFFFE080, s28  }
0x109: {  	[hbm4b:s0+s3] =	stream.linear.scatter [tilespmem:s21], [sflag:$0xF], $0x1900, $0x38;
	v63 =	vld [tilespmem:$0x0]  }
0x10a: {  	s0 =	simm.s32 $0xB  }
0x10b: {  	_ =	swait.ge [sflag:s0], $0x3200  }
0x10c: {  	[sflag:s0] =	ssyncset.done $0x0  }
0x10d: {  	[sflag:s0] =	ssyncadd.s32 $0xFFFFCE00;
	s0 =	sadd.s32 $0xA00, s30  }
0x10e: {  	[tilespmem:s20], [sflag:$0x3] =	stream.indirect.gather [hbm4b:s2+s16], $0x80, s0, s16, $0xb8;
	v63 =	vld [tilespmem:$0x0]  }
0x10f: {  	s0 =	sadd.s32 $0xA80, s30  }
0x110: {  	[tilespmem:s29], [sflag:$0x3] =	stream.indirect.gather [hbm4b:s2+s16], $0x80, s0, s16, $0xb8;
	v63 =	vld [tilespmem:$0x0]  }
0x111: {  	_ =	swait.ge [sflag:s4], $0x1900  }
0x112: {  	[sflag:s4] =	ssyncset.done $0x0  }
0x113: {  	[sflag:s4] =	ssyncadd.s32 $0xFFFFE700  }
0x114: {  	_ =	swait.ge [sflag:s4], $0x1900  }
0x115: {  	[sflag:s4] =	ssyncset.done $0x0  }
0x116: {  	s23 =	simm.s32 $0x1C800;
	s0 =	sadd.s32 $0xFFFFE400, s28;
	[sflag:s4] =	ssyncadd.s32 $0xFFFFE700  }
0x117: {  	[hbm4b:s0+s3] =	stream.linear.scatter [tilespmem:s23], [sflag:$0x10], $0x1900, $0x38;
	v63 =	vld [tilespmem:$0x0]  }
0x118: {  	s0 =	sadd.s32 $0xFFFFE780, s28  }
0x119: {  	[hbm4b:s0+s3] =	stream.linear.scatter [tilespmem:s10], [sflag:$0x10], $0x1900, $0x38;
	v63 =	vld [tilespmem:$0x0]  }
0x11a: {  	s0 =	simm.s32 $0xC  }
0x11b: {  	_ =	swait.ge [sflag:s0], $0x3200  }
0x11c: {  	[sflag:s0] =	ssyncset.done $0x0  }
0x11d: {  	[sflag:s0] =	ssyncadd.s32 $0xFFFFCE00;
	s0 =	sadd.s32 $0xB00, s30  }
0x11e: {  	[tilespmem:s24], [sflag:$0x4] =	stream.indirect.gather [hbm4b:s2+s16], $0x80, s0, s16, $0xb8;
	v63 =	vld [tilespmem:$0x0]  }
0x11f: {  	s0 =	sadd.s32 $0xB80, s30  }
0x120: {  	[tilespmem:s1], [sflag:$0x4] =	stream.indirect.gather [hbm4b:s2+s16], $0x80, s0, s16, $0xb8;
	v63 =	vld [tilespmem:$0x0]  }
0x121: {  	_ =	swait.ge [sflag:s5], $0x1900  }
0x122: {  	[sflag:s5] =	ssyncset.done $0x0  }
0x123: {  	[sflag:s5] =	ssyncadd.s32 $0xFFFFE700  }
0x124: {  	_ =	swait.ge [sflag:s5], $0x1900  }
0x125: {  	[sflag:s5] =	ssyncset.done $0x0  }
0x126: {  	s0 =	sadd.s32 $0xFFFFEB00, s28;
	[sflag:s5] =	ssyncadd.s32 $0xFFFFE700  }
0x127: {  	[hbm4b:s0+s3] =	stream.linear.scatter [tilespmem:s18], [sflag:$0x9], $0x1900, $0x38;
	v63 =	vld [tilespmem:$0x0]  }
0x128: {  	s0 =	sadd.s32 $0xFFFFEE80, s28  }
0x129: {  	[hbm4b:s0+s3] =	stream.linear.scatter [tilespmem:s22], [sflag:$0x9], $0x1900, $0x38;
	v63 =	vld [tilespmem:$0x0]  }
0x12a: {  	s0 =	simm.s32 $0xD  }
0x12b: {  	_ =	swait.ge [sflag:s0], $0x3200  }
0x12c: {  	[sflag:s0] =	ssyncset.done $0x0  }
0x12d: {  	s10 =	simm.s32 $0x12000;
	[sflag:s0] =	ssyncadd.s32 $0xFFFFCE00;
	s0 =	sadd.s32 $0xC00, s30  }
0x12e: {  	[tilespmem:s8], [sflag:$0x5] =	stream.indirect.gather [hbm4b:s2+s16], $0x80, s0, s16, $0xb8;
	v63 =	vld [tilespmem:$0x0]  }
0x12f: {  	s0 =	sadd.s32 $0xC80, s30;
	s8 =	simm.s32 $0x13C00  }
0x130: {  	[tilespmem:s12], [sflag:$0x5] =	stream.indirect.gather [hbm4b:s2+s16], $0x80, s0, s16, $0xb8;
	v63 =	vld [tilespmem:$0x0]  }
0x131: {  	_ =	swait.ge [sflag:s13], $0x1900  }
0x132: {  	[sflag:s13] =	ssyncset.done $0x0  }
0x133: {  	[sflag:s13] =	ssyncadd.s32 $0xFFFFE700  }
0x134: {  	_ =	swait.ge [sflag:s13], $0x1900  }
0x135: {  	[sflag:s13] =	ssyncset.done $0x0  }
0x136: {  	s0 =	sadd.s32 $0xFFFFF200, s28;
	[sflag:s13] =	ssyncadd.s32 $0xFFFFE700  }
0x137: {  	[hbm4b:s0+s3] =	stream.linear.scatter [tilespmem:s26], [sflag:$0xA], $0x1900, $0x38;
	v63 =	vld [tilespmem:$0x0]  }
0x138: {  	s0 =	sadd.s32 $0xFFFFF580, s28  }
0x139: {  	[hbm4b:s0+s3] =	stream.linear.scatter [tilespmem:s31], [sflag:$0xA], $0x1900, $0x38;
	v63 =	vld [tilespmem:$0x0]  }
0x13a: {  	s0 =	simm.s32 $0xE  }
0x13b: {  	_ =	swait.ge [sflag:s0], $0x3200  }
0x13c: {  	[sflag:s0] =	ssyncset.done $0x0  }
0x13d: {  	s12 =	simm.s32 $0x15800;
	[sflag:s0] =	ssyncadd.s32 $0xFFFFCE00;
	s0 =	sadd.s32 $0xD00, s30  }
0x13e: {  	[tilespmem:s14], [sflag:$0x6] =	stream.indirect.gather [hbm4b:s2+s16], $0x80, s0, s16, $0xb8;
	v63 =	vld [tilespmem:$0x0]  }
0x13f: {  	s0 =	sadd.s32 $0xD80, s30;
	s14 =	simm.s32 $0x17400  }
0x140: {  	[tilespmem:s17], [sflag:$0x6] =	stream.indirect.gather [hbm4b:s2+s16], $0x80, s0, s16, $0xb8;
	v63 =	vld [tilespmem:$0x0]  }
0x141: {  	_ =	swait.ge [sflag:s15], $0x1900  }
0x142: {  	[sflag:s15] =	ssyncset.done $0x0  }
0x143: {  	[sflag:s15] =	ssyncadd.s32 $0xFFFFE700  }
0x144: {  	_ =	swait.ge [sflag:s15], $0x1900  }
0x145: {  	[sflag:s15] =	ssyncset.done $0x0  }
0x146: {  	s0 =	sadd.s32 $0xFFFFF900, s28;
	[sflag:s15] =	ssyncadd.s32 $0xFFFFE700  }
0x147: {  	[hbm4b:s0+s3] =	stream.linear.scatter [tilespmem:s20], [sflag:$0xB], $0x1900, $0x38;
	v63 =	vld [tilespmem:$0x0]  }
0x148: {  	s0 =	sadd.s32 $0xFFFFFC80, s28  }
0x149: {  	[hbm4b:s0+s3] =	stream.linear.scatter [tilespmem:s29], [sflag:$0xB], $0x1900, $0x38;
	v63 =	vld [tilespmem:$0x0]  }
0x14a: {  	s0 =	simm.s32 $0xF  }
0x14b: {  	_ =	swait.ge [sflag:s0], $0x3200  }
0x14c: {  	[sflag:s0] =	ssyncset.done $0x0  }
0x14d: {  	s17 =	simm.s32 $0x19000;
	[sflag:s0] =	ssyncadd.s32 $0xFFFFCE00;
	s0 =	sadd.s32 $0xE00, s30  }
0x14e: {  	[tilespmem:s19], [sflag:$0x7] =	stream.indirect.gather [hbm4b:s2+s16], $0x80, s0, s16, $0xb8;
	v63 =	vld [tilespmem:$0x0]  }
0x14f: {  	s0 =	sadd.s32 $0xE80, s30;
	s19 =	simm.s32 $0x1AC00  }
0x150: {  	[tilespmem:s21], [sflag:$0x7] =	stream.indirect.gather [hbm4b:s2+s16], $0x80, s0, s16, $0xb8;
	v63 =	vld [tilespmem:$0x0]  }
0x151: {  	_ =	swait.ge [sflag:s6], $0x1900  }
0x152: {  	[sflag:s6] =	ssyncset.done $0x0  }
0x153: {  	[sflag:s6] =	ssyncadd.s32 $0xFFFFE700  }
0x154: {  	_ =	swait.ge [sflag:s6], $0x1900  }
0x155: {  	[sflag:s6] =	ssyncset.done $0x0  }
0x156: {  	[sflag:s6] =	ssyncadd.s32 $0xFFFFE700  }
0x157: {  	[hbm4b:s28+s3] =	stream.linear.scatter [tilespmem:s24], [sflag:$0xC], $0x1900, $0x38;
	v63 =	vld [tilespmem:$0x0]  }
0x158: {  	s0 =	sadd.s32 $0x380, s28  }
0x159: {  	[hbm4b:s0+s3] =	stream.linear.scatter [tilespmem:s1], [sflag:$0xC], $0x1900, $0x38;
	v63 =	vld [tilespmem:$0x0]  }
0x15a: {  	s0 =	simm.s32 $0x10  }
.Ltmp0:
0x15b: {  	_ =	swait.ge [sflag:s0], $0x3200;
	(pc) =	sbr.rel @p0 .LBB2_2-.Ltmp0, $4  }
0x15c: {  	[sflag:s0] =	ssyncset.done $0x0  }
0x15d: {  	s21 =	simm.s32 $0x1C800;
	[sflag:s0] =	ssyncadd.s32 $0xFFFFCE00;
	s0 =	sadd.s32 $0xF00, s30  }
0x15e: {  	[tilespmem:s23], [sflag:$0x8] =	stream.indirect.gather [hbm4b:s2+s16], $0x80, s0, s16, $0xb8;
	v63 =	vld [tilespmem:$0x0]  }
0x15f: {  	s28 =	sadd.s32 $0x3800, s28;
	s30 =	sadd.s32 $0xF80, s30  }
0x160: {  	s1 =	simm.s32 $0x1E400  }
0x161: {  	[tilespmem:s1], [sflag:$0x8] =	stream.indirect.gather [hbm4b:s2+s16], $0x80, s30, s16, $0xb8;
	v63 =	vld [tilespmem:$0x0]  }
0x162: {  	_ =	swait.ge [sflag:s7], $0x1900  }
0x163: {  	[sflag:s7] =	ssyncset.done $0x0  }
0x164: {  	[sflag:s7] =	ssyncadd.s32 $0xFFFFE700  }
0x165: {  	_ =	swait.ge [sflag:s7], $0x1900  }
0x166: {  	[sflag:s7] =	ssyncset.done $0x0  }
0x167: {  	s0 =	rddreg [dreg:$0x9];
	[sflag:s7] =	ssyncadd.s32 $0xFFFFE700  }
0x168: {  	[hbm4b:s0+s3] =	stream.linear.scatter [tilespmem:s10], [sflag:$0xD], $0x1900, $0x38;
	v63 =	vld [tilespmem:$0x0]  }
0x169: {  	s0 =	sadd.s32 $0x380, s0  }
0x16a: {  	[hbm4b:s0+s3] =	stream.linear.scatter [tilespmem:s8], [sflag:$0xD], $0x1900, $0x38;
	v63 =	vld [tilespmem:$0x0]  }
0x16b: {  	s8 =	simm.s32 $0x9  }
0x16c: {  	_ =	swait.ge [sflag:s8], $0x3200  }
0x16d: {  	[sflag:s8] =	ssyncset.done $0x0  }
0x16e: {  	[sflag:s8] =	ssyncadd.s32 $0xFFFFCE00  }
0x16f: {  	_ =	swait.ge [sflag:s9], $0x1900  }
0x170: {  	[sflag:s9] =	ssyncset.done $0x0  }
0x171: {  	[sflag:s9] =	ssyncadd.s32 $0xFFFFE700  }
0x172: {  	_ =	swait.ge [sflag:s9], $0x1900  }
0x173: {  	[sflag:s9] =	ssyncset.done $0x0  }
0x174: {  	s10 =	rddreg [dreg:$0xa];
	[sflag:s9] =	ssyncadd.s32 $0xFFFFE700  }
0x175: {  	[hbm4b:s10+s3] =	stream.linear.scatter [tilespmem:s12], [sflag:$0xE], $0x1900, $0x38;
	v63 =	vld [tilespmem:$0x0]  }
0x176: {  	s0 =	sadd.s32 $0x380, s10  }
0x177: {  	[hbm4b:s0+s3] =	stream.linear.scatter [tilespmem:s14], [sflag:$0xE], $0x1900, $0x38;
	v63 =	vld [tilespmem:$0x0]  }
0x178: {  	s14 =	simm.s32 $0xA  }
0x179: {  	_ =	swait.ge [sflag:s14], $0x3200  }
0x17a: {  	[sflag:s14] =	ssyncset.done $0x0  }
0x17b: {  	[sflag:s14] =	ssyncadd.s32 $0xFFFFCE00  }
0x17c: {  	_ =	swait.ge [sflag:s11], $0x1900  }
0x17d: {  	[sflag:s11] =	ssyncset.done $0x0  }
0x17e: {  	[sflag:s11] =	ssyncadd.s32 $0xFFFFE700  }
0x17f: {  	_ =	swait.ge [sflag:s11], $0x1900  }
0x180: {  	[sflag:s11] =	ssyncset.done $0x0  }
0x181: {  	s18 =	rddreg [dreg:$0xb];
	[sflag:s11] =	ssyncadd.s32 $0xFFFFE700  }
0x182: {  	[hbm4b:s18+s3] =	stream.linear.scatter [tilespmem:s17], [sflag:$0xF], $0x1900, $0x38;
	v63 =	vld [tilespmem:$0x0]  }
0x183: {  	s0 =	sadd.s32 $0x380, s18  }
0x184: {  	[hbm4b:s0+s3] =	stream.linear.scatter [tilespmem:s19], [sflag:$0xF], $0x1900, $0x38;
	v63 =	vld [tilespmem:$0x0]  }
0x185: {  	s19 =	simm.s32 $0xB  }
0x186: {  	_ =	swait.ge [sflag:s19], $0x3200  }
0x187: {  	[sflag:s19] =	ssyncset.done $0x0  }
0x188: {  	[sflag:s19] =	ssyncadd.s32 $0xFFFFCE00  }
0x189: {  	_ =	swait.ge [sflag:s4], $0x1900  }
0x18a: {  	[sflag:s4] =	ssyncset.done $0x0  }
0x18b: {  	[sflag:s4] =	ssyncadd.s32 $0xFFFFE700  }
0x18c: {  	_ =	swait.ge [sflag:s4], $0x1900  }
0x18d: {  	[sflag:s4] =	ssyncset.done $0x0  }
0x18e: {  	s20 =	rddreg [dreg:$0xc];
	[sflag:s4] =	ssyncadd.s32 $0xFFFFE700  }
0x18f: {  	[hbm4b:s20+s3] =	stream.linear.scatter [tilespmem:s21], [sflag:$0x10], $0x1900, $0x38;
	v63 =	vld [tilespmem:$0x0]  }
0x190: {  	s0 =	sadd.s32 $0x380, s20;
	s21 =	simm.s32 $0xC  }
0x191: {  	[hbm4b:s0+s3] =	stream.linear.scatter [tilespmem:s1], [sflag:$0x10], $0x1900, $0x38;
	v63 =	vld [tilespmem:$0x0]  }
0x192: {  	_ =	swait.ge [sflag:s21], $0x3200  }
0x193: {  	[sflag:s21] =	ssyncset.done $0x0  }
0x194: {  	s22 =	simm.s32 $0xD;
	[sflag:s21] =	ssyncadd.s32 $0xFFFFCE00  }
0x195: {  	_ =	swait.ge [sflag:s22], $0x3200  }
0x196: {  	[sflag:s22] =	ssyncset.done $0x0  }
0x197: {  	s23 =	simm.s32 $0xE;
	[sflag:s22] =	ssyncadd.s32 $0xFFFFCE00  }
0x198: {  	_ =	swait.ge [sflag:s23], $0x3200  }
0x199: {  	[sflag:s23] =	ssyncset.done $0x0  }
0x19a: {  	s24 =	simm.s32 $0xF;
	[sflag:s23] =	ssyncadd.s32 $0xFFFFCE00  }
0x19b: {  	_ =	swait.ge [sflag:s24], $0x3200  }
0x19c: {  	[sflag:s24] =	ssyncset.done $0x0  }
0x19d: {  	s25 =	simm.s32 $0x10;
	[sflag:s24] =	ssyncadd.s32 $0xFFFFCE00  }
0x19e: {  	_ =	swait.ge [sflag:s25], $0x3200  }
0x19f: {  	s26 =	rddreg [dreg:$0xf]  }
0x1a0: {  	s30 =	rddreg [dreg:$0xd];
	s8 =	sadd.s32 $0x1, s26  }
0x1a1: {  	p0 =	sne.s32 s8, s30  }
.Ltmp1:
0x1a2: {  	_ = 	snop;
	(pc) =	sbr.rel @p0 .LBB2_1-.Ltmp1, $4  }
0x1a3: {  	s28 =	simm.s32 $0x9400  }
0x1a4: {  	s29 =	simm.s32 $0xCC00;
	s18 =	simm.s32 $0x4000;
	s20 =	simm.s32 $0xB000  }
0x1a5: {  	s1 =	simm.s32 $0x10400;
	s22 =	simm.s32 $0x5C00;
	[sflag:s25] =	ssyncset.done $0x0  }
0x1a6: {  	s24 =	simm.s32 $0xE800;
	[sflag:s25] =	ssyncadd.s32 $0xFFFFCE00;
	s26 =	simm.s32 $0x7800  }
0x1a7: {  	_ =	sfence.sel $0x180000  }
0x1a8: {  	[bflag:$0x0] =	sbarrier.arrive $0xFFFF  }
0x1a9: {  	_ =	strace $0x90000047  }
0x1aa: {  	s0 =	stileid.u32;
	[bflag:$0x2] =	sbarrier.arrive $0xFFFF  }
0x1ab: {  	p0 =	sne.s32 s0, $0x0;
	s0 =	rddreg [dreg:$0x3]  }
0x1ac: {  	s0 =	sadd.s32 @!p0 $0x100000, s0  }
0x1ad: {  	[sflag:s0] =	ssyncadd.tile.s32 @!p0 $0x1;
	_ =	shalt  }
.Lfunc_end2:
_tile_overlayer_lowered:
.L_overlay_start_2:
0x1ae: {  	(tag) =	ssettag $0x2  }
0x1af: {  	s0 =	rddreg [dreg:$0x0];
	s2 =	stileid.u32  }
0x1b0: {  	s1 =	rddreg [dreg:$0x1];
	p0 =	sne.s32 s2, $0x0  }
0x1b1: {  	s3 =	rddreg [dreg:$0x2];
	[bflag:$0x3] =	sbarrier.arrive $0xFFFF;
	s2 =	simm.s32 @!p0 $0x1C11  }
0x1b2: {  	[timem:s3], [sflag:s2] =	dma.local @!p0 [hbm:s0], s1  }
0x1b3: {  	s0 =	simm.s32 @!p0 $0x11  }
0x1b4: {  	_ =	swait.ge @!p0 [sflag:s0], s1  }
0x1b5: {  	s1 =	ssub.s32 @!p0 $0x0, s1;
	[sflag:s0] =	ssyncset.done @!p0 $0x0  }
0x1b6: {  	[sflag:s0] =	ssyncadd.s32 @!p0 s1  }
0x1b7: {  	[bflag:$0x3] =	sbarrier.arrive $0xFFFF  }
0x1b8: {  	_ =	shalt  }

</sc_bundles>
